<compile_context>
chip_gen: v7x
topology: tpu7x:2x2x1
jax: 0.10.2.dev20260603
libtpu: 0.0.44.dev20260713+nightly
codegen_flags: <defaults>
</compile_context>

<pallas_src>
import jax
import jax.numpy as jnp
from jax.experimental import pallas as pl
from jax.experimental.pallas import tpu as pltpu

EPS = 1e-5
_F32 = jnp.float32




def _fps_body(x_ref, y_ref, z_ref, idx_ref, nx_ref, ny_ref, nz_ref, dist_ref):
    B, N = x_ref.shape
    npoint = idx_ref.shape[1]
    iota = jax.lax.broadcasted_iota(jnp.int32, (B, N), 1)
    iota_np = jax.lax.broadcasted_iota(jnp.int32, (B, npoint), 1)
    x = x_ref[...]
    y = y_ref[...]
    z = z_ref[...]
    idx_ref[...] = jnp.zeros((B, npoint), jnp.int32)
    nx_ref[...] = jnp.broadcast_to(x[:, 0:1], (B, npoint))
    ny_ref[...] = jnp.broadcast_to(y[:, 0:1], (B, npoint))
    nz_ref[...] = jnp.broadcast_to(z[:, 0:1], (B, npoint))
    dist_ref[...] = jnp.full((B, N), 1e10, _F32)

    def body(i, carry):
        xl, yl, zl = carry
        d = (x - xl) ** 2 + (y - yl) ** 2 + (z - zl) ** 2
        dist = jnp.minimum(dist_ref[...], d)
        dist_ref[...] = dist
        m = jnp.max(dist, axis=1, keepdims=True)
        nxt = jnp.min(jnp.where(dist == m, iota, N), axis=1, keepdims=True)
        col = iota_np == i
        idx_ref[...] = jnp.where(col, nxt, idx_ref[...])
        oh = iota == nxt
        xn = jnp.sum(jnp.where(oh, x, 0.0), axis=1, keepdims=True)
        yn = jnp.sum(jnp.where(oh, y, 0.0), axis=1, keepdims=True)
        zn = jnp.sum(jnp.where(oh, z, 0.0), axis=1, keepdims=True)
        nx_ref[...] = jnp.where(col, xn, nx_ref[...])
        ny_ref[...] = jnp.where(col, yn, ny_ref[...])
        nz_ref[...] = jnp.where(col, zn, nz_ref[...])
        return (xn, yn, zn)

    jax.lax.fori_loop(1, npoint, body, (x[:, 0:1], y[:, 0:1], z[:, 0:1]))


def _fps(xyz, npoint):
    B, N, _ = xyz.shape
    idx, nx, ny, nz = pl.pallas_call(
        _fps_body,
        out_shape=[
            jax.ShapeDtypeStruct((B, npoint), jnp.int32),
            jax.ShapeDtypeStruct((B, npoint), _F32),
            jax.ShapeDtypeStruct((B, npoint), _F32),
            jax.ShapeDtypeStruct((B, npoint), _F32),
        ],
        scratch_shapes=[pltpu.VMEM((B, N), _F32)],
    )(xyz[..., 0], xyz[..., 1], xyz[..., 2])
    new_xyz = jnp.stack([nx, ny, nz], axis=-1)
    return idx, new_xyz




def _maxk_body(y_ref, o_ref):
    o_ref[0] = jnp.max(y_ref[0], axis=-1)


def _max_k(y, s_blk):
    B, O, S, K = y.shape
    return pl.pallas_call(
        _maxk_body,
        grid=(B, S // s_blk),
        in_specs=[pl.BlockSpec((1, O, s_blk, K), lambda b, s: (b, 0, s, 0))],
        out_specs=pl.BlockSpec((1, O, s_blk), lambda b, s: (b, 0, s)),
        out_shape=jax.ShapeDtypeStruct((B, O, S), _F32),
    )(y)


def _maxp_body(y_ref, o_ref):
    o_ref[0] = jnp.max(y_ref[0], axis=-1).reshape(1, -1)


def _max_pts(y):
    B, O, P = y.shape
    m = pl.pallas_call(
        _maxp_body,
        grid=(B,),
        in_specs=[pl.BlockSpec((1, O, P), lambda b: (b, 0, 0))],
        out_specs=pl.BlockSpec((1, 1, O), lambda b: (b, 0, 0)),
        out_shape=jax.ShapeDtypeStruct((B, 1, O), _F32),
    )(y)
    return m[:, 0, :]




def _batchnorm(x, g, b):
    axes = (0,) + tuple(range(2, x.ndim))
    m = jnp.mean(x, axis=axes, keepdims=True)
    v = jnp.var(x, axis=axes, keepdims=True)
    shape = (1, -1) + (1,) * (x.ndim - 2)
    return (x - m) / jnp.sqrt(v + EPS) * g.reshape(shape) + b.reshape(shape)


def _ball_query(radius, nsample, xyz, new_xyz):
    N = xyz.shape[1]
    d = (jnp.sum(new_xyz ** 2, -1)[:, :, None]
         + jnp.sum(xyz ** 2, -1)[:, None, :]
         - 2.0 * jnp.einsum('bsd,bnd->bsn', new_xyz, xyz))
    mask = d <= radius ** 2
    idx = jnp.where(mask, jnp.arange(N, dtype=jnp.int32)[None, None, :], N)
    idx = jnp.sort(idx, axis=-1)[:, :, :nsample]
    first = idx[:, :, :1]
    idx = jnp.where(idx == N, first, idx)
    idx = jnp.where(idx == N, 0, idx).astype(jnp.int32)
    return idx


def _index_points(points, idx):
    return jax.vmap(lambda p, i: p[i])(points, idx)


def _sa_module(xyz, features, nxyz, radius, nsample, layers):
    idx = _ball_query(radius, nsample, xyz, nxyz)
    grouped_xyz = _index_points(xyz, idx) - nxyz[:, :, None, :]
    if features is not None:
        grouped_feat = _index_points(jnp.transpose(features, (0, 2, 1)), idx)
        grouped = jnp.concatenate([grouped_xyz, grouped_feat], axis=-1)
    else:
        grouped = grouped_xyz
    x = jnp.transpose(grouped, (0, 3, 1, 2))
    for (W, g, b) in layers:
        x = jnp.einsum('oc,bcsk->bosk', W, x)
        x = jax.nn.relu(_batchnorm(x, g, b))
    return jnp.max(x, axis=-1)


def _downsample(feat_rows, W, g, b):
    x = jnp.einsum('oc,bnc->bon', W, feat_rows)
    return jax.nn.relu(_batchnorm(x, g, b))


def _fc_body(x_ref, w1_ref, g1_ref, b1_ref, w2_ref, g2_ref, b2_ref, o_ref):
    x = x_ref[...]
    for w_ref, g_ref, b_ref in ((w1_ref, g1_ref, b1_ref),
                                (w2_ref, g2_ref, b2_ref)):
        y = jnp.dot(x, w_ref[...].T, preferred_element_type=jnp.float32)
        m = jnp.mean(y, axis=0, keepdims=True)
        v = jnp.mean((y - m) ** 2, axis=0, keepdims=True)
        y = (y - m) / jnp.sqrt(v + EPS) * g_ref[...][None, :] + b_ref[...][None, :]
        x = jnp.maximum(y, 0.0)
    o_ref[...] = x


def _fc_head(x, fc_params):
    (w1, g1, b1), (w2, g2, b2) = fc_params
    return pl.pallas_call(
        _fc_body,
        out_shape=jax.ShapeDtypeStruct((x.shape[0], w2.shape[0]), _F32),
    )(x, w1, g1, b1, w2, g2, b2)


def kernel(pointcloud, params):
    xyz = pointcloud[..., :3]

    fidx1, nxyz1 = _fps(xyz, 1024)
    f1 = _sa_module(xyz, None, nxyz1, 0.23, 48, params['sa1'])

    fidx2, nxyz2 = _fps(nxyz1, 512)
    f2 = _sa_module(nxyz1, f1, nxyz2, 0.32, 64, params['sa2'])

    fidx3, nxyz3 = _fps(nxyz2, 256)
    f3 = _sa_module(nxyz2, f2, nxyz3, 0.32, 64, params['sa3'])

    f1_rows = jnp.transpose(f1, (0, 2, 1))
    f2_rows = jnp.transpose(f2, (0, 2, 1))
    r0 = _downsample(_index_points(f1_rows, fidx2[:, :256]), *params['ds0'])
    r1 = _downsample(_index_points(f2_rows, fidx3), *params['ds1'])

    feats = jnp.concatenate([r0, r1, f3], axis=1)
    grouped = jnp.concatenate([jnp.transpose(nxyz3, (0, 2, 1)), feats],
                              axis=1)[:, :, None, :]
    x = grouped
    for (W, g, b) in params['sa4']:
        x = jnp.einsum('oc,bcsk->bosk', W, x)
        x = jax.nn.relu(_batchnorm(x, g, b))
    x = jnp.max(x, axis=-1)[:, :, 0]
    return _fc_head(x, params['fc'])

# --- scband reference (transcript-rebuilt; emitter-appended) ---
"""Pipeline reference for scband-rscnn-ms-6158983102650 (READ-ONLY COPY).

The authoritative reference and input builder live on the scoring server;
editing this copy changes nothing except your own understanding.
"""

import jax, jax.numpy as jnp
import numpy as np

EPS = 1e-5

def batchnorm(x, g, b):
    axes = (0,) + tuple(range(2, x.ndim))
    m = jnp.mean(x, axis=axes, keepdims=True)
    v = jnp.var(x, axis=axes, keepdims=True)
    shape = (1, -1) + (1,) * (x.ndim - 2)
    return (x - m) / jnp.sqrt(v + EPS) * g.reshape(shape) + b.reshape(shape)

def fps(xyz, npoint):
    N = xyz.shape[1]
    def one(pts):
        def body(i, state):
            idxs, dist, last = state
            d = jnp.sum((pts - pts[last]) ** 2, axis=-1)
            dist = jnp.minimum(dist, d)
            nxt = jnp.argmax(dist).astype(jnp.int32)
            idxs = idxs.at[i].set(nxt)
            return (idxs, dist, nxt)
        idxs0 = jnp.zeros((npoint,), dtype=jnp.int32)
        state = (idxs0, jnp.full((N,), 1e10, dtype=jnp.float32), jnp.int32(0))
        idxs, _, _ = jax.lax.fori_loop(1, npoint, body, state)
        return idxs
    return jax.vmap(one)(xyz)

def sq_dist(a, b):
    return (jnp.sum(a ** 2, -1)[:, :, None] + jnp.sum(b ** 2, -1)[:, None, :]
            - 2.0 * jnp.einsum('bsd,bnd->bsn', a, b))

def ball_query(radius, nsample, xyz, new_xyz):
    N = xyz.shape[1]
    d = sq_dist(new_xyz, xyz)
    mask = d <= radius ** 2
    idx = jnp.where(mask, jnp.arange(N, dtype=jnp.int32)[None, None, :], N)
    idx = jnp.sort(idx, axis=-1)[:, :, :nsample]
    first = idx[:, :, :1]
    idx = jnp.where(idx == N, first, idx)
    idx = jnp.where(idx == N, 0, idx).astype(jnp.int32)
    return idx

def index_points(points, idx):
    return jax.vmap(lambda p, i: p[i])(points, idx)

def shared_mlp(x, layers):
    for (W, g, b) in layers:
        x = jnp.einsum('oc,bcsk->bosk', W, x)
        x = jax.nn.relu(batchnorm(x, g, b))
    return x

def sa_module(xyz, features, npoint, radius, nsample, layers):
    fidx = fps(xyz, npoint)
    new_xyz = index_points(xyz, fidx)
    idx = ball_query(radius, nsample, xyz, new_xyz)
    grouped_xyz = index_points(xyz, idx) - new_xyz[:, :, None, :]
    if features is not None:
        grouped_feat = index_points(jnp.transpose(features, (0, 2, 1)), idx)
        grouped = jnp.concatenate([grouped_xyz, grouped_feat], axis=-1)
    else:
        grouped = grouped_xyz
    x = jnp.transpose(grouped, (0, 3, 1, 2))
    x = shared_mlp(x, layers)
    return new_xyz, jnp.max(x, axis=-1)

def sa_group_all(xyz, features, layers):
    grouped = jnp.concatenate([jnp.transpose(xyz, (0, 2, 1)), features], axis=1)[:, :, None, :]
    x = shared_mlp(grouped, layers)
    return jnp.max(x, axis=-1)

def downsample(xyz, features, W, g, b):
    fidx = fps(xyz, 256)
    feat = jax.vmap(lambda f, i: f[:, i])(features, fidx)
    x = jnp.einsum('oc,bcn->bon', W, feat)
    return jax.nn.relu(batchnorm(x, g, b))

def forward(pointcloud, params):
    xyz = pointcloud[..., :3]
    xyz1, f1 = sa_module(xyz, None, 1024, 0.23, 48, params['sa1'])
    xyz2, f2 = sa_module(xyz1, f1, 512, 0.32, 64, params['sa2'])
    xyz3, f3 = sa_module(xyz2, f2, 256, 0.32, 64, params['sa3'])
    r0 = downsample(xyz1, f1, *params['ds0'])
    r1 = downsample(xyz2, f2, *params['ds1'])
    feats = jnp.concatenate([r0, r1, f3], axis=1)
    g = sa_group_all(xyz3, feats, params['sa4'])
    x = g[:, :, 0]
    for (W, ga, be) in params['fc']:
        x = jax.nn.relu(batchnorm(x @ W.T, ga, be))
    return x

def setup_inputs(seed: int = 0):
    key = jax.random.key(seed)
    ks = jax.random.split(key, 12)
    B, N = 16, 4096
    pointcloud = jax.random.uniform(ks[0], (B, N, 3), dtype=jnp.float32)
    def mk(k, o, i):
        return (jax.random.normal(k, (o, i), dtype=jnp.float32) * 0.02,
                jnp.ones((o,), jnp.float32), jnp.zeros((o,), jnp.float32))
    params = {
        'sa1': [mk(ks[1], 128, 3), mk(ks[2], 128, 128)],
        'sa2': [mk(ks[3], 256, 131), mk(ks[4], 256, 256)],
        'sa3': [mk(ks[5], 256, 259)],
        'ds0': mk(ks[6], 256, 128),
        'ds1': mk(ks[7], 256, 256),
        'sa4': [mk(ks[8], 1024, 771)],
        'fc': [mk(ks[9], 512, 1024), mk(ks[10], 512, 512)],
    }
    return {'pointcloud': pointcloud, 'params': params}

def reference(pointcloud, params):
    return forward(pointcloud, params)

if __name__ == "__main__":
    import jax
    _d = setup_inputs()
    print(jax.jit(kernel)(*tuple(_d.values())))

</pallas_src>

<mosaic_0001>
module attributes {stable_mosaic.version = 14 : i64} {
  func.func @_fps_body(%arg0: memref<16x1024xf32, #tpu.memory_space<vmem>>, %arg1: memref<16x1024xf32, #tpu.memory_space<vmem>>, %arg2: memref<16x1024xf32, #tpu.memory_space<vmem>>, %arg3: memref<16x512xi32, #tpu.memory_space<vmem>>, %arg4: memref<16x512xf32, #tpu.memory_space<vmem>>, %arg5: memref<16x512xf32, #tpu.memory_space<vmem>>, %arg6: memref<16x512xf32, #tpu.memory_space<vmem>>, %arg7: memref<16x1024xf32, #tpu.memory_space<vmem>>) attributes {dimension_semantics = [], scalar_prefetch = 0 : i64, scratch_operands = 1 : i64, tpu.core_type = #tpu.core_type<tc>} {
    %iota3A = tpu.iota {dimensions = array<i32: 1>} : vector<16x1024xi32>
    %iota3A_0 = tpu.iota {dimensions = array<i32: 1>} : vector<16x512xi32>
    %get3A = arith.constant 0 : index
    %get3A_1 = arith.constant 0 : index
    %get3A_2 = vector.load %arg0[%get3A, %get3A_1] : memref<16x1024xf32, #tpu.memory_space<vmem>>, vector<16x1024xf32>
    %get3A_3 = arith.constant 0 : index
    %get3A_4 = arith.constant 0 : index
    %get3A_5 = vector.load %arg1[%get3A_3, %get3A_4] : memref<16x1024xf32, #tpu.memory_space<vmem>>, vector<16x1024xf32>
    %get3A_6 = arith.constant 0 : index
    %get3A_7 = arith.constant 0 : index
    %get3A_8 = vector.load %arg2[%get3A_6, %get3A_7] : memref<16x1024xf32, #tpu.memory_space<vmem>>, vector<16x1024xf32>
    %broadcast_in_dim3A = arith.constant 0 : i32
    %broadcast_in_dim3A_9 = vector.broadcast %broadcast_in_dim3A : i32 to vector<16x512xi32>
    %swap3A = arith.constant 0 : index
    %swap3A_10 = arith.constant 0 : index
    %swap3A_11 = vector.load %arg3[%swap3A, %swap3A_10] : memref<16x512xi32, #tpu.memory_space<vmem>>, vector<16x512xi32>
    tpu.vector_store %arg3[%swap3A, %swap3A_10], %broadcast_in_dim3A_9 {strides = array<i32>} : memref<16x512xi32, #tpu.memory_space<vmem>>, vector<16x512xi32>,
    %slice3A = vector.extract_strided_slice %get3A_2 {offsets = [0, 0], sizes = [16, 1], strides = [1, 1]} : vector<16x1024xf32> to vector<16x1xf32>
    %broadcast_in_dim3A_12 = vector.shape_cast %slice3A : vector<16x1xf32> to vector<16x1xf32>
    %broadcast_in_dim3A_13 = vector.broadcast %broadcast_in_dim3A_12 : vector<16x1xf32> to vector<16x512xf32>
    %swap3A_14 = arith.constant 0 : index
    %swap3A_15 = arith.constant 0 : index
    %swap3A_16 = vector.load %arg4[%swap3A_14, %swap3A_15] : memref<16x512xf32, #tpu.memory_space<vmem>>, vector<16x512xf32>
    tpu.vector_store %arg4[%swap3A_14, %swap3A_15], %broadcast_in_dim3A_13 {strides = array<i32>} : memref<16x512xf32, #tpu.memory_space<vmem>>, vector<16x512xf32>,
    %slice3A_17 = vector.extract_strided_slice %get3A_5 {offsets = [0, 0], sizes = [16, 1], strides = [1, 1]} : vector<16x1024xf32> to vector<16x1xf32>
    %broadcast_in_dim3A_18 = vector.shape_cast %slice3A_17 : vector<16x1xf32> to vector<16x1xf32>
    %broadcast_in_dim3A_19 = vector.broadcast %broadcast_in_dim3A_18 : vector<16x1xf32> to vector<16x512xf32>
    %swap3A_20 = arith.constant 0 : index
    %swap3A_21 = arith.constant 0 : index
    %swap3A_22 = vector.load %arg5[%swap3A_20, %swap3A_21] : memref<16x512xf32, #tpu.memory_space<vmem>>, vector<16x512xf32>
    tpu.vector_store %arg5[%swap3A_20, %swap3A_21], %broadcast_in_dim3A_19 {strides = array<i32>} : memref<16x512xf32, #tpu.memory_space<vmem>>, vector<16x512xf32>,
    %slice3A_23 = vector.extract_strided_slice %get3A_8 {offsets = [0, 0], sizes = [16, 1], strides = [1, 1]} : vector<16x1024xf32> to vector<16x1xf32>
    %broadcast_in_dim3A_24 = vector.shape_cast %slice3A_23 : vector<16x1xf32> to vector<16x1xf32>
    %broadcast_in_dim3A_25 = vector.broadcast %broadcast_in_dim3A_24 : vector<16x1xf32> to vector<16x512xf32>
    %swap3A_26 = arith.constant 0 : index
    %swap3A_27 = arith.constant 0 : index
    %swap3A_28 = vector.load %arg6[%swap3A_26, %swap3A_27] : memref<16x512xf32, #tpu.memory_space<vmem>>, vector<16x512xf32>
    tpu.vector_store %arg6[%swap3A_26, %swap3A_27], %broadcast_in_dim3A_25 {strides = array<i32>} : memref<16x512xf32, #tpu.memory_space<vmem>>, vector<16x512xf32>,
    %broadcast_in_dim3A_29 = arith.constant 1.000000e+10 : f32
    %broadcast_in_dim3A_30 = vector.broadcast %broadcast_in_dim3A_29 : f32 to vector<16x1024xf32>
    %swap3A_31 = arith.constant 0 : index
    %swap3A_32 = arith.constant 0 : index
    %swap3A_33 = vector.load %arg7[%swap3A_31, %swap3A_32] : memref<16x1024xf32, #tpu.memory_space<vmem>>, vector<16x1024xf32>
    tpu.vector_store %arg7[%swap3A_31, %swap3A_32], %broadcast_in_dim3A_30 {strides = array<i32>} : memref<16x1024xf32, #tpu.memory_space<vmem>>, vector<16x1024xf32>,
    %slice3A_34 = vector.extract_strided_slice %get3A_2 {offsets = [0, 0], sizes = [16, 1], strides = [1, 1]} : vector<16x1024xf32> to vector<16x1xf32>
    %slice3A_35 = vector.extract_strided_slice %get3A_5 {offsets = [0, 0], sizes = [16, 1], strides = [1, 1]} : vector<16x1024xf32> to vector<16x1xf32>
    %slice3A_36 = vector.extract_strided_slice %get3A_8 {offsets = [0, 0], sizes = [16, 1], strides = [1, 1]} : vector<16x1024xf32> to vector<16x1xf32>
    %scan3A = arith.constant 1 : i32
    %scan3A_37 = arith.constant 511 : i32
    %scan3A_38 = arith.addi %scan3A, %scan3A_37 : i32
    %scan3A_39 = arith.constant 1 : i32
    %scan3A_40:3 = scf.for %scan3A_42 = %scan3A to %scan3A_38 step %scan3A_39 iter_args(%scan3A_43 = %slice3A_34, %scan3A_44 = %slice3A_35, %scan3A_45 = %slice3A_36) -> (vector<16x1xf32>, vector<16x1xf32>, vector<16x1xf32>)  : i32 {
      %sub3A = vector.broadcast %scan3A_43 : vector<16x1xf32> to vector<16x1024xf32>
      %sub3A_46 = arith.subf %get3A_2, %sub3A : vector<16x1024xf32>
      %integer_pow3A = arith.mulf %sub3A_46, %sub3A_46 : vector<16x1024xf32>
      %sub3A_47 = vector.broadcast %scan3A_44 : vector<16x1xf32> to vector<16x1024xf32>
      %sub3A_48 = arith.subf %get3A_5, %sub3A_47 : vector<16x1024xf32>
      %integer_pow3A_49 = arith.mulf %sub3A_48, %sub3A_48 : vector<16x1024xf32>
      %add3A = arith.addf %integer_pow3A, %integer_pow3A_49 : vector<16x1024xf32>
      %sub3A_50 = vector.broadcast %scan3A_45 : vector<16x1xf32> to vector<16x1024xf32>
      %sub3A_51 = arith.subf %get3A_8, %sub3A_50 : vector<16x1024xf32>
      %integer_pow3A_52 = arith.mulf %sub3A_51, %sub3A_51 : vector<16x1024xf32>
      %add3A_53 = arith.addf %add3A, %integer_pow3A_52 : vector<16x1024xf32>
      %get3A_54 = arith.constant 0 : index
      %get3A_55 = arith.constant 0 : index
      %get3A_56 = vector.load %arg7[%get3A_54, %get3A_55] : memref<16x1024xf32, #tpu.memory_space<vmem>>, vector<16x1024xf32>
      %min3A = arith.minimumf %get3A_56, %add3A_53 : vector<16x1024xf32>
      %swap3A_57 = arith.constant 0 : index
      %swap3A_58 = arith.constant 0 : index
      %swap3A_59 = vector.load %arg7[%swap3A_57, %swap3A_58] : memref<16x1024xf32, #tpu.memory_space<vmem>>, vector<16x1024xf32>
      tpu.vector_store %arg7[%swap3A_57, %swap3A_58], %min3A {strides = array<i32>} : memref<16x1024xf32, #tpu.memory_space<vmem>>, vector<16x1024xf32>,
      %reduce_max3A = arith.constant dense<0xFF800000> : vector<16xf32>
      %reduce_max3A_60 = vector.multi_reduction <maximumf>, %min3A, %reduce_max3A [1] : vector<16x1024xf32> to vector<16xf32>
      %broadcast_in_dim3A_61 = vector.shape_cast %reduce_max3A_60 : vector<16xf32> to vector<16x1xf32>
      %eq3A = vector.broadcast %broadcast_in_dim3A_61 : vector<16x1xf32> to vector<16x1024xf32>
      %eq3A_62 = arith.cmpf oeq, %min3A, %eq3A : vector<16x1024xf32>
      %jit3A = arith.constant 1024 : i32
      %broadcast_in_dim3A_63 = vector.broadcast %jit3A : i32 to vector<16x1024xi32>
      %select_n3A = arith.select %eq3A_62, %iota3A, %broadcast_in_dim3A_63 : vector<16x1024xi1>, vector<16x1024xi32>
      %reduce_min3A = arith.constant dense<2147483647> : vector<16xi32>
      %reduce_min3A_64 = vector.multi_reduction <minsi>, %select_n3A, %reduce_min3A [1] : vector<16x1024xi32> to vector<16xi32>
      %broadcast_in_dim3A_65 = vector.shape_cast %reduce_min3A_64 : vector<16xi32> to vector<16x1xi32>
      %eq3A_66 = vector.broadcast %scan3A_42 : i32 to vector<16x512xi32>
      %eq3A_67 = arith.cmpi eq, %iota3A_0, %eq3A_66 : vector<16x512xi32>
      %get3A_68 = arith.constant 0 : index
      %get3A_69 = arith.constant 0 : index
      %get3A_70 = vector.load %arg3[%get3A_68, %get3A_69] : memref<16x512xi32, #tpu.memory_space<vmem>>, vector<16x512xi32>
      %broadcast_in_dim3A_71 = vector.shape_cast %broadcast_in_dim3A_65 : vector<16x1xi32> to vector<16x1xi32>
      %broadcast_in_dim3A_72 = vector.broadcast %broadcast_in_dim3A_71 : vector<16x1xi32> to vector<16x512xi32>
      %select_n3A_73 = arith.select %eq3A_67, %broadcast_in_dim3A_72, %get3A_70 : vector<16x512xi1>, vector<16x512xi32>
      %swap3A_74 = arith.constant 0 : index
      %swap3A_75 = arith.constant 0 : index
      %swap3A_76 = vector.load %arg3[%swap3A_74, %swap3A_75] : memref<16x512xi32, #tpu.memory_space<vmem>>, vector<16x512xi32>
      tpu.vector_store %arg3[%swap3A_74, %swap3A_75], %select_n3A_73 {strides = array<i32>} : memref<16x512xi32, #tpu.memory_space<vmem>>, vector<16x512xi32>,
      %eq3A_77 = vector.broadcast %broadcast_in_dim3A_65 : vector<16x1xi32> to vector<16x1024xi32>
      %eq3A_78 = arith.cmpi eq, %iota3A, %eq3A_77 : vector<16x1024xi32>
      %jit3A_79 = arith.constant 0.000000e+00 : f32
      %broadcast_in_dim3A_80 = vector.broadcast %jit3A_79 : f32 to vector<16x1024xf32>
      %select_n3A_81 = arith.select %eq3A_78, %get3A_2, %broadcast_in_dim3A_80 : vector<16x1024xi1>, vector<16x1024xf32>
      %reduce_sum3A = arith.constant dense<0.000000e+00> : vector<16xf32>
      %reduce_sum3A_82 = vector.multi_reduction <add>, %select_n3A_81, %reduce_sum3A [1] : vector<16x1024xf32> to vector<16xf32>
      %broadcast_in_dim3A_83 = vector.shape_cast %reduce_sum3A_82 : vector<16xf32> to vector<16x1xf32>
      %jit3A_84 = arith.constant 0.000000e+00 : f32
      %broadcast_in_dim3A_85 = vector.broadcast %jit3A_84 : f32 to vector<16x1024xf32>
      %select_n3A_86 = arith.select %eq3A_78, %get3A_5, %broadcast_in_dim3A_85 : vector<16x1024xi1>, vector<16x1024xf32>
      %reduce_sum3A_87 = arith.constant dense<0.000000e+00> : vector<16xf32>
      %reduce_sum3A_88 = vector.multi_reduction <add>, %select_n3A_86, %reduce_sum3A_87 [1] : vector<16x1024xf32> to vector<16xf32>
      %broadcast_in_dim3A_89 = vector.shape_cast %reduce_sum3A_88 : vector<16xf32> to vector<16x1xf32>
      %jit3A_90 = arith.constant 0.000000e+00 : f32
      %broadcast_in_dim3A_91 = vector.broadcast %jit3A_90 : f32 to vector<16x1024xf32>
      %select_n3A_92 = arith.select %eq3A_78, %get3A_8, %broadcast_in_dim3A_91 : vector<16x1024xi1>, vector<16x1024xf32>
      %reduce_sum3A_93 = arith.constant dense<0.000000e+00> : vector<16xf32>
      %reduce_sum3A_94 = vector.multi_reduction <add>, %select_n3A_92, %reduce_sum3A_93 [1] : vector<16x1024xf32> to vector<16xf32>
      %broadcast_in_dim3A_95 = vector.shape_cast %reduce_sum3A_94 : vector<16xf32> to vector<16x1xf32>
      %get3A_96 = arith.constant 0 : index
      %get3A_97 = arith.constant 0 : index
      %get3A_98 = vector.load %arg4[%get3A_96, %get3A_97] : memref<16x512xf32, #tpu.memory_space<vmem>>, vector<16x512xf32>
      %broadcast_in_dim3A_99 = vector.shape_cast %broadcast_in_dim3A_83 : vector<16x1xf32> to vector<16x1xf32>
      %broadcast_in_dim3A_100 = vector.broadcast %broadcast_in_dim3A_99 : vector<16x1xf32> to vector<16x512xf32>
      %select_n3A_101 = arith.select %eq3A_67, %broadcast_in_dim3A_100, %get3A_98 : vector<16x512xi1>, vector<16x512xf32>
      %swap3A_102 = arith.constant 0 : index
      %swap3A_103 = arith.constant 0 : index
      %swap3A_104 = vector.load %arg4[%swap3A_102, %swap3A_103] : memref<16x512xf32, #tpu.memory_space<vmem>>, vector<16x512xf32>
      tpu.vector_store %arg4[%swap3A_102, %swap3A_103], %select_n3A_101 {strides = array<i32>} : memref<16x512xf32, #tpu.memory_space<vmem>>, vector<16x512xf32>,
      %get3A_105 = arith.constant 0 : index
      %get3A_106 = arith.constant 0 : index
      %get3A_107 = vector.load %arg5[%get3A_105, %get3A_106] : memref<16x512xf32, #tpu.memory_space<vmem>>, vector<16x512xf32>
      %broadcast_in_dim3A_108 = vector.shape_cast %broadcast_in_dim3A_89 : vector<16x1xf32> to vector<16x1xf32>
      %broadcast_in_dim3A_109 = vector.broadcast %broadcast_in_dim3A_108 : vector<16x1xf32> to vector<16x512xf32>
      %select_n3A_110 = arith.select %eq3A_67, %broadcast_in_dim3A_109, %get3A_107 : vector<16x512xi1>, vector<16x512xf32>
      %swap3A_111 = arith.constant 0 : index
      %swap3A_112 = arith.constant 0 : index
      %swap3A_113 = vector.load %arg5[%swap3A_111, %swap3A_112] : memref<16x512xf32, #tpu.memory_space<vmem>>, vector<16x512xf32>
      tpu.vector_store %arg5[%swap3A_111, %swap3A_112], %select_n3A_110 {strides = array<i32>} : memref<16x512xf32, #tpu.memory_space<vmem>>, vector<16x512xf32>,
      %get3A_114 = arith.constant 0 : index
      %get3A_115 = arith.constant 0 : index
      %get3A_116 = vector.load %arg6[%get3A_114, %get3A_115] : memref<16x512xf32, #tpu.memory_space<vmem>>, vector<16x512xf32>
      %broadcast_in_dim3A_117 = vector.shape_cast %broadcast_in_dim3A_95 : vector<16x1xf32> to vector<16x1xf32>
      %broadcast_in_dim3A_118 = vector.broadcast %broadcast_in_dim3A_117 : vector<16x1xf32> to vector<16x512xf32>
      %select_n3A_119 = arith.select %eq3A_67, %broadcast_in_dim3A_118, %get3A_116 : vector<16x512xi1>, vector<16x512xf32>
      %swap3A_120 = arith.constant 0 : index
      %swap3A_121 = arith.constant 0 : index
      %swap3A_122 = vector.load %arg6[%swap3A_120, %swap3A_121] : memref<16x512xf32, #tpu.memory_space<vmem>>, vector<16x512xf32>
      tpu.vector_store %arg6[%swap3A_120, %swap3A_121], %select_n3A_119 {strides = array<i32>} : memref<16x512xf32, #tpu.memory_space<vmem>>, vector<16x512xf32>,
      scf.yield %broadcast_in_dim3A_83, %broadcast_in_dim3A_89, %broadcast_in_dim3A_95 : vector<16x1xf32>, vector<16x1xf32>, vector<16x1xf32>
    }
    %scan3A_41 = arith.constant 511 : i32
    return
  }
}

module attributes {stable_mosaic.version = 14 : i64} {
  func.func @_fps_body(%arg0: memref<16x4096xf32, #tpu.memory_space<vmem>>, %arg1: memref<16x4096xf32, #tpu.memory_space<vmem>>, %arg2: memref<16x4096xf32, #tpu.memory_space<vmem>>, %arg3: memref<16x1024xi32, #tpu.memory_space<vmem>>, %arg4: memref<16x1024xf32, #tpu.memory_space<vmem>>, %arg5: memref<16x1024xf32, #tpu.memory_space<vmem>>, %arg6: memref<16x1024xf32, #tpu.memory_space<vmem>>, %arg7: memref<16x4096xf32, #tpu.memory_space<vmem>>) attributes {dimension_semantics = [], scalar_prefetch = 0 : i64, scratch_operands = 1 : i64, tpu.core_type = #tpu.core_type<tc>} {
    %iota3A = tpu.iota {dimensions = array<i32: 1>} : vector<16x4096xi32>
    %iota3A_0 = tpu.iota {dimensions = array<i32: 1>} : vector<16x1024xi32>
    %get3A = arith.constant 0 : index
    %get3A_1 = arith.constant 0 : index
    %get3A_2 = vector.load %arg0[%get3A, %get3A_1] : memref<16x4096xf32, #tpu.memory_space<vmem>>, vector<16x4096xf32>
    %get3A_3 = arith.constant 0 : index
    %get3A_4 = arith.constant 0 : index
    %get3A_5 = vector.load %arg1[%get3A_3, %get3A_4] : memref<16x4096xf32, #tpu.memory_space<vmem>>, vector<16x4096xf32>
    %get3A_6 = arith.constant 0 : index
    %get3A_7 = arith.constant 0 : index
    %get3A_8 = vector.load %arg2[%get3A_6, %get3A_7] : memref<16x4096xf32, #tpu.memory_space<vmem>>, vector<16x4096xf32>
    %broadcast_in_dim3A = arith.constant 0 : i32
    %broadcast_in_dim3A_9 = vector.broadcast %broadcast_in_dim3A : i32 to vector<16x1024xi32>
    %swap3A = arith.constant 0 : index
    %swap3A_10 = arith.constant 0 : index
    %swap3A_11 = vector.load %arg3[%swap3A, %swap3A_10] : memref<16x1024xi32, #tpu.memory_space<vmem>>, vector<16x1024xi32>
    tpu.vector_store %arg3[%swap3A, %swap3A_10], %broadcast_in_dim3A_9 {strides = array<i32>} : memref<16x1024xi32, #tpu.memory_space<vmem>>, vector<16x1024xi32>,
    %slice3A = vector.extract_strided_slice %get3A_2 {offsets = [0, 0], sizes = [16, 1], strides = [1, 1]} : vector<16x4096xf32> to vector<16x1xf32>
    %broadcast_in_dim3A_12 = vector.shape_cast %slice3A : vector<16x1xf32> to vector<16x1xf32>
    %broadcast_in_dim3A_13 = vector.broadcast %broadcast_in_dim3A_12 : vector<16x1xf32> to vector<16x1024xf32>
    %swap3A_14 = arith.constant 0 : index
    %swap3A_15 = arith.constant 0 : index
    %swap3A_16 = vector.load %arg4[%swap3A_14, %swap3A_15] : memref<16x1024xf32, #tpu.memory_space<vmem>>, vector<16x1024xf32>
    tpu.vector_store %arg4[%swap3A_14, %swap3A_15], %broadcast_in_dim3A_13 {strides = array<i32>} : memref<16x1024xf32, #tpu.memory_space<vmem>>, vector<16x1024xf32>,
    %slice3A_17 = vector.extract_strided_slice %get3A_5 {offsets = [0, 0], sizes = [16, 1], strides = [1, 1]} : vector<16x4096xf32> to vector<16x1xf32>
    %broadcast_in_dim3A_18 = vector.shape_cast %slice3A_17 : vector<16x1xf32> to vector<16x1xf32>
    %broadcast_in_dim3A_19 = vector.broadcast %broadcast_in_dim3A_18 : vector<16x1xf32> to vector<16x1024xf32>
    %swap3A_20 = arith.constant 0 : index
    %swap3A_21 = arith.constant 0 : index
    %swap3A_22 = vector.load %arg5[%swap3A_20, %swap3A_21] : memref<16x1024xf32, #tpu.memory_space<vmem>>, vector<16x1024xf32>
    tpu.vector_store %arg5[%swap3A_20, %swap3A_21], %broadcast_in_dim3A_19 {strides = array<i32>} : memref<16x1024xf32, #tpu.memory_space<vmem>>, vector<16x1024xf32>,
    %slice3A_23 = vector.extract_strided_slice %get3A_8 {offsets = [0, 0], sizes = [16, 1], strides = [1, 1]} : vector<16x4096xf32> to vector<16x1xf32>
    %broadcast_in_dim3A_24 = vector.shape_cast %slice3A_23 : vector<16x1xf32> to vector<16x1xf32>
    %broadcast_in_dim3A_25 = vector.broadcast %broadcast_in_dim3A_24 : vector<16x1xf32> to vector<16x1024xf32>
    %swap3A_26 = arith.constant 0 : index
    %swap3A_27 = arith.constant 0 : index
    %swap3A_28 = vector.load %arg6[%swap3A_26, %swap3A_27] : memref<16x1024xf32, #tpu.memory_space<vmem>>, vector<16x1024xf32>
    tpu.vector_store %arg6[%swap3A_26, %swap3A_27], %broadcast_in_dim3A_25 {strides = array<i32>} : memref<16x1024xf32, #tpu.memory_space<vmem>>, vector<16x1024xf32>,
    %broadcast_in_dim3A_29 = arith.constant 1.000000e+10 : f32
    %broadcast_in_dim3A_30 = vector.broadcast %broadcast_in_dim3A_29 : f32 to vector<16x4096xf32>
    %swap3A_31 = arith.constant 0 : index
    %swap3A_32 = arith.constant 0 : index
    %swap3A_33 = vector.load %arg7[%swap3A_31, %swap3A_32] : memref<16x4096xf32, #tpu.memory_space<vmem>>, vector<16x4096xf32>
    tpu.vector_store %arg7[%swap3A_31, %swap3A_32], %broadcast_in_dim3A_30 {strides = array<i32>} : memref<16x4096xf32, #tpu.memory_space<vmem>>, vector<16x4096xf32>,
    %slice3A_34 = vector.extract_strided_slice %get3A_2 {offsets = [0, 0], sizes = [16, 1], strides = [1, 1]} : vector<16x4096xf32> to vector<16x1xf32>
    %slice3A_35 = vector.extract_strided_slice %get3A_5 {offsets = [0, 0], sizes = [16, 1], strides = [1, 1]} : vector<16x4096xf32> to vector<16x1xf32>
    %slice3A_36 = vector.extract_strided_slice %get3A_8 {offsets = [0, 0], sizes = [16, 1], strides = [1, 1]} : vector<16x4096xf32> to vector<16x1xf32>
    %scan3A = arith.constant 1 : i32
    %scan3A_37 = arith.constant 1023 : i32
    %scan3A_38 = arith.addi %scan3A, %scan3A_37 : i32
    %scan3A_39 = arith.constant 1 : i32
    %scan3A_40:3 = scf.for %scan3A_42 = %scan3A to %scan3A_38 step %scan3A_39 iter_args(%scan3A_43 = %slice3A_34, %scan3A_44 = %slice3A_35, %scan3A_45 = %slice3A_36) -> (vector<16x1xf32>, vector<16x1xf32>, vector<16x1xf32>)  : i32 {
      %sub3A = vector.broadcast %scan3A_43 : vector<16x1xf32> to vector<16x4096xf32>
      %sub3A_46 = arith.subf %get3A_2, %sub3A : vector<16x4096xf32>
      %integer_pow3A = arith.mulf %sub3A_46, %sub3A_46 : vector<16x4096xf32>
      %sub3A_47 = vector.broadcast %scan3A_44 : vector<16x1xf32> to vector<16x4096xf32>
      %sub3A_48 = arith.subf %get3A_5, %sub3A_47 : vector<16x4096xf32>
      %integer_pow3A_49 = arith.mulf %sub3A_48, %sub3A_48 : vector<16x4096xf32>
      %add3A = arith.addf %integer_pow3A, %integer_pow3A_49 : vector<16x4096xf32>
      %sub3A_50 = vector.broadcast %scan3A_45 : vector<16x1xf32> to vector<16x4096xf32>
      %sub3A_51 = arith.subf %get3A_8, %sub3A_50 : vector<16x4096xf32>
      %integer_pow3A_52 = arith.mulf %sub3A_51, %sub3A_51 : vector<16x4096xf32>
      %add3A_53 = arith.addf %add3A, %integer_pow3A_52 : vector<16x4096xf32>
      %get3A_54 = arith.constant 0 : index
      %get3A_55 = arith.constant 0 : index
      %get3A_56 = vector.load %arg7[%get3A_54, %get3A_55] : memref<16x4096xf32, #tpu.memory_space<vmem>>, vector<16x4096xf32>
      %min3A = arith.minimumf %get3A_56, %add3A_53 : vector<16x4096xf32>
      %swap3A_57 = arith.constant 0 : index
      %swap3A_58 = arith.constant 0 : index
      %swap3A_59 = vector.load %arg7[%swap3A_57, %swap3A_58] : memref<16x4096xf32, #tpu.memory_space<vmem>>, vector<16x4096xf32>
      tpu.vector_store %arg7[%swap3A_57, %swap3A_58], %min3A {strides = array<i32>} : memref<16x4096xf32, #tpu.memory_space<vmem>>, vector<16x4096xf32>,
      %reduce_max3A = arith.constant dense<0xFF800000> : vector<16xf32>
      %reduce_max3A_60 = vector.multi_reduction <maximumf>, %min3A, %reduce_max3A [1] : vector<16x4096xf32> to vector<16xf32>
      %broadcast_in_dim3A_61 = vector.shape_cast %reduce_max3A_60 : vector<16xf32> to vector<16x1xf32>
      %eq3A = vector.broadcast %broadcast_in_dim3A_61 : vector<16x1xf32> to vector<16x4096xf32>
      %eq3A_62 = arith.cmpf oeq, %min3A, %eq3A : vector<16x4096xf32>
      %jit3A = arith.constant 4096 : i32
      %broadcast_in_dim3A_63 = vector.broadcast %jit3A : i32 to vector<16x4096xi32>
      %select_n3A = arith.select %eq3A_62, %iota3A, %broadcast_in_dim3A_63 : vector<16x4096xi1>, vector<16x4096xi32>
      %reduce_min3A = arith.constant dense<2147483647> : vector<16xi32>
      %reduce_min3A_64 = vector.multi_reduction <minsi>, %select_n3A, %reduce_min3A [1] : vector<16x4096xi32> to vector<16xi32>
      %broadcast_in_dim3A_65 = vector.shape_cast %reduce_min3A_64 : vector<16xi32> to vector<16x1xi32>
      %eq3A_66 = vector.broadcast %scan3A_42 : i32 to vector<16x1024xi32>
      %eq3A_67 = arith.cmpi eq, %iota3A_0, %eq3A_66 : vector<16x1024xi32>
      %get3A_68 = arith.constant 0 : index
      %get3A_69 = arith.constant 0 : index
      %get3A_70 = vector.load %arg3[%get3A_68, %get3A_69] : memref<16x1024xi32, #tpu.memory_space<vmem>>, vector<16x1024xi32>
      %broadcast_in_dim3A_71 = vector.shape_cast %broadcast_in_dim3A_65 : vector<16x1xi32> to vector<16x1xi32>
      %broadcast_in_dim3A_72 = vector.broadcast %broadcast_in_dim3A_71 : vector<16x1xi32> to vector<16x1024xi32>
      %select_n3A_73 = arith.select %eq3A_67, %broadcast_in_dim3A_72, %get3A_70 : vector<16x1024xi1>, vector<16x1024xi32>
      %swap3A_74 = arith.constant 0 : index
      %swap3A_75 = arith.constant 0 : index
      %swap3A_76 = vector.load %arg3[%swap3A_74, %swap3A_75] : memref<16x1024xi32, #tpu.memory_space<vmem>>, vector<16x1024xi32>
      tpu.vector_store %arg3[%swap3A_74, %swap3A_75], %select_n3A_73 {strides = array<i32>} : memref<16x1024xi32, #tpu.memory_space<vmem>>, vector<16x1024xi32>,
      %eq3A_77 = vector.broadcast %broadcast_in_dim3A_65 : vector<16x1xi32> to vector<16x4096xi32>
      %eq3A_78 = arith.cmpi eq, %iota3A, %eq3A_77 : vector<16x4096xi32>
      %jit3A_79 = arith.constant 0.000000e+00 : f32
      %broadcast_in_dim3A_80 = vector.broadcast %jit3A_79 : f32 to vector<16x4096xf32>
      %select_n3A_81 = arith.select %eq3A_78, %get3A_2, %broadcast_in_dim3A_80 : vector<16x4096xi1>, vector<16x4096xf32>
      %reduce_sum3A = arith.constant dense<0.000000e+00> : vector<16xf32>
      %reduce_sum3A_82 = vector.multi_reduction <add>, %select_n3A_81, %reduce_sum3A [1] : vector<16x4096xf32> to vector<16xf32>
      %broadcast_in_dim3A_83 = vector.shape_cast %reduce_sum3A_82 : vector<16xf32> to vector<16x1xf32>
      %jit3A_84 = arith.constant 0.000000e+00 : f32
      %broadcast_in_dim3A_85 = vector.broadcast %jit3A_84 : f32 to vector<16x4096xf32>
      %select_n3A_86 = arith.select %eq3A_78, %get3A_5, %broadcast_in_dim3A_85 : vector<16x4096xi1>, vector<16x4096xf32>
      %reduce_sum3A_87 = arith.constant dense<0.000000e+00> : vector<16xf32>
      %reduce_sum3A_88 = vector.multi_reduction <add>, %select_n3A_86, %reduce_sum3A_87 [1] : vector<16x4096xf32> to vector<16xf32>
      %broadcast_in_dim3A_89 = vector.shape_cast %reduce_sum3A_88 : vector<16xf32> to vector<16x1xf32>
      %jit3A_90 = arith.constant 0.000000e+00 : f32
      %broadcast_in_dim3A_91 = vector.broadcast %jit3A_90 : f32 to vector<16x4096xf32>
      %select_n3A_92 = arith.select %eq3A_78, %get3A_8, %broadcast_in_dim3A_91 : vector<16x4096xi1>, vector<16x4096xf32>
      %reduce_sum3A_93 = arith.constant dense<0.000000e+00> : vector<16xf32>
      %reduce_sum3A_94 = vector.multi_reduction <add>, %select_n3A_92, %reduce_sum3A_93 [1] : vector<16x4096xf32> to vector<16xf32>
      %broadcast_in_dim3A_95 = vector.shape_cast %reduce_sum3A_94 : vector<16xf32> to vector<16x1xf32>
      %get3A_96 = arith.constant 0 : index
      %get3A_97 = arith.constant 0 : index
      %get3A_98 = vector.load %arg4[%get3A_96, %get3A_97] : memref<16x1024xf32, #tpu.memory_space<vmem>>, vector<16x1024xf32>
      %broadcast_in_dim3A_99 = vector.shape_cast %broadcast_in_dim3A_83 : vector<16x1xf32> to vector<16x1xf32>
      %broadcast_in_dim3A_100 = vector.broadcast %broadcast_in_dim3A_99 : vector<16x1xf32> to vector<16x1024xf32>
      %select_n3A_101 = arith.select %eq3A_67, %broadcast_in_dim3A_100, %get3A_98 : vector<16x1024xi1>, vector<16x1024xf32>
      %swap3A_102 = arith.constant 0 : index
      %swap3A_103 = arith.constant 0 : index
      %swap3A_104 = vector.load %arg4[%swap3A_102, %swap3A_103] : memref<16x1024xf32, #tpu.memory_space<vmem>>, vector<16x1024xf32>
      tpu.vector_store %arg4[%swap3A_102, %swap3A_103], %select_n3A_101 {strides = array<i32>} : memref<16x1024xf32, #tpu.memory_space<vmem>>, vector<16x1024xf32>,
      %get3A_105 = arith.constant 0 : index
      %get3A_106 = arith.constant 0 : index
      %get3A_107 = vector.load %arg5[%get3A_105, %get3A_106] : memref<16x1024xf32, #tpu.memory_space<vmem>>, vector<16x1024xf32>
      %broadcast_in_dim3A_108 = vector.shape_cast %broadcast_in_dim3A_89 : vector<16x1xf32> to vector<16x1xf32>
      %broadcast_in_dim3A_109 = vector.broadcast %broadcast_in_dim3A_108 : vector<16x1xf32> to vector<16x1024xf32>
      %select_n3A_110 = arith.select %eq3A_67, %broadcast_in_dim3A_109, %get3A_107 : vector<16x1024xi1>, vector<16x1024xf32>
      %swap3A_111 = arith.constant 0 : index
      %swap3A_112 = arith.constant 0 : index
      %swap3A_113 = vector.load %arg5[%swap3A_111, %swap3A_112] : memref<16x1024xf32, #tpu.memory_space<vmem>>, vector<16x1024xf32>
      tpu.vector_store %arg5[%swap3A_111, %swap3A_112], %select_n3A_110 {strides = array<i32>} : memref<16x1024xf32, #tpu.memory_space<vmem>>, vector<16x1024xf32>,
      %get3A_114 = arith.constant 0 : index
      %get3A_115 = arith.constant 0 : index
      %get3A_116 = vector.load %arg6[%get3A_114, %get3A_115] : memref<16x1024xf32, #tpu.memory_space<vmem>>, vector<16x1024xf32>
      %broadcast_in_dim3A_117 = vector.shape_cast %broadcast_in_dim3A_95 : vector<16x1xf32> to vector<16x1xf32>
      %broadcast_in_dim3A_118 = vector.broadcast %broadcast_in_dim3A_117 : vector<16x1xf32> to vector<16x1024xf32>
      %select_n3A_119 = arith.select %eq3A_67, %broadcast_in_dim3A_118, %get3A_116 : vector<16x1024xi1>, vector<16x1024xf32>
      %swap3A_120 = arith.constant 0 : index
      %swap3A_121 = arith.constant 0 : index
      %swap3A_122 = vector.load %arg6[%swap3A_120, %swap3A_121] : memref<16x1024xf32, #tpu.memory_space<vmem>>, vector<16x1024xf32>
      tpu.vector_store %arg6[%swap3A_120, %swap3A_121], %select_n3A_119 {strides = array<i32>} : memref<16x1024xf32, #tpu.memory_space<vmem>>, vector<16x1024xf32>,
      scf.yield %broadcast_in_dim3A_83, %broadcast_in_dim3A_89, %broadcast_in_dim3A_95 : vector<16x1xf32>, vector<16x1xf32>, vector<16x1xf32>
    }
    %scan3A_41 = arith.constant 1023 : i32
    return
  }
}

module attributes {stable_mosaic.version = 14 : i64} {
  func.func @_fps_body(%arg0: memref<16x512xf32, #tpu.memory_space<vmem>>, %arg1: memref<16x512xf32, #tpu.memory_space<vmem>>, %arg2: memref<16x512xf32, #tpu.memory_space<vmem>>, %arg3: memref<16x256xi32, #tpu.memory_space<vmem>>, %arg4: memref<16x256xf32, #tpu.memory_space<vmem>>, %arg5: memref<16x256xf32, #tpu.memory_space<vmem>>, %arg6: memref<16x256xf32, #tpu.memory_space<vmem>>, %arg7: memref<16x512xf32, #tpu.memory_space<vmem>>) attributes {dimension_semantics = [], scalar_prefetch = 0 : i64, scratch_operands = 1 : i64, tpu.core_type = #tpu.core_type<tc>} {
    %iota3A = tpu.iota {dimensions = array<i32: 1>} : vector<16x512xi32>
    %iota3A_0 = tpu.iota {dimensions = array<i32: 1>} : vector<16x256xi32>
    %get3A = arith.constant 0 : index
    %get3A_1 = arith.constant 0 : index
    %get3A_2 = vector.load %arg0[%get3A, %get3A_1] : memref<16x512xf32, #tpu.memory_space<vmem>>, vector<16x512xf32>
    %get3A_3 = arith.constant 0 : index
    %get3A_4 = arith.constant 0 : index
    %get3A_5 = vector.load %arg1[%get3A_3, %get3A_4] : memref<16x512xf32, #tpu.memory_space<vmem>>, vector<16x512xf32>
    %get3A_6 = arith.constant 0 : index
    %get3A_7 = arith.constant 0 : index
    %get3A_8 = vector.load %arg2[%get3A_6, %get3A_7] : memref<16x512xf32, #tpu.memory_space<vmem>>, vector<16x512xf32>
    %broadcast_in_dim3A = arith.constant 0 : i32
    %broadcast_in_dim3A_9 = vector.broadcast %broadcast_in_dim3A : i32 to vector<16x256xi32>
    %swap3A = arith.constant 0 : index
    %swap3A_10 = arith.constant 0 : index
    %swap3A_11 = vector.load %arg3[%swap3A, %swap3A_10] : memref<16x256xi32, #tpu.memory_space<vmem>>, vector<16x256xi32>
    tpu.vector_store %arg3[%swap3A, %swap3A_10], %broadcast_in_dim3A_9 {strides = array<i32>} : memref<16x256xi32, #tpu.memory_space<vmem>>, vector<16x256xi32>,
    %slice3A = vector.extract_strided_slice %get3A_2 {offsets = [0, 0], sizes = [16, 1], strides = [1, 1]} : vector<16x512xf32> to vector<16x1xf32>
    %broadcast_in_dim3A_12 = vector.shape_cast %slice3A : vector<16x1xf32> to vector<16x1xf32>
    %broadcast_in_dim3A_13 = vector.broadcast %broadcast_in_dim3A_12 : vector<16x1xf32> to vector<16x256xf32>
    %swap3A_14 = arith.constant 0 : index
    %swap3A_15 = arith.constant 0 : index
    %swap3A_16 = vector.load %arg4[%swap3A_14, %swap3A_15] : memref<16x256xf32, #tpu.memory_space<vmem>>, vector<16x256xf32>
    tpu.vector_store %arg4[%swap3A_14, %swap3A_15], %broadcast_in_dim3A_13 {strides = array<i32>} : memref<16x256xf32, #tpu.memory_space<vmem>>, vector<16x256xf32>,
    %slice3A_17 = vector.extract_strided_slice %get3A_5 {offsets = [0, 0], sizes = [16, 1], strides = [1, 1]} : vector<16x512xf32> to vector<16x1xf32>
    %broadcast_in_dim3A_18 = vector.shape_cast %slice3A_17 : vector<16x1xf32> to vector<16x1xf32>
    %broadcast_in_dim3A_19 = vector.broadcast %broadcast_in_dim3A_18 : vector<16x1xf32> to vector<16x256xf32>
    %swap3A_20 = arith.constant 0 : index
    %swap3A_21 = arith.constant 0 : index
    %swap3A_22 = vector.load %arg5[%swap3A_20, %swap3A_21] : memref<16x256xf32, #tpu.memory_space<vmem>>, vector<16x256xf32>
    tpu.vector_store %arg5[%swap3A_20, %swap3A_21], %broadcast_in_dim3A_19 {strides = array<i32>} : memref<16x256xf32, #tpu.memory_space<vmem>>, vector<16x256xf32>,
    %slice3A_23 = vector.extract_strided_slice %get3A_8 {offsets = [0, 0], sizes = [16, 1], strides = [1, 1]} : vector<16x512xf32> to vector<16x1xf32>
    %broadcast_in_dim3A_24 = vector.shape_cast %slice3A_23 : vector<16x1xf32> to vector<16x1xf32>
    %broadcast_in_dim3A_25 = vector.broadcast %broadcast_in_dim3A_24 : vector<16x1xf32> to vector<16x256xf32>
    %swap3A_26 = arith.constant 0 : index
    %swap3A_27 = arith.constant 0 : index
    %swap3A_28 = vector.load %arg6[%swap3A_26, %swap3A_27] : memref<16x256xf32, #tpu.memory_space<vmem>>, vector<16x256xf32>
    tpu.vector_store %arg6[%swap3A_26, %swap3A_27], %broadcast_in_dim3A_25 {strides = array<i32>} : memref<16x256xf32, #tpu.memory_space<vmem>>, vector<16x256xf32>,
    %broadcast_in_dim3A_29 = arith.constant 1.000000e+10 : f32
    %broadcast_in_dim3A_30 = vector.broadcast %broadcast_in_dim3A_29 : f32 to vector<16x512xf32>
    %swap3A_31 = arith.constant 0 : index
    %swap3A_32 = arith.constant 0 : index
    %swap3A_33 = vector.load %arg7[%swap3A_31, %swap3A_32] : memref<16x512xf32, #tpu.memory_space<vmem>>, vector<16x512xf32>
    tpu.vector_store %arg7[%swap3A_31, %swap3A_32], %broadcast_in_dim3A_30 {strides = array<i32>} : memref<16x512xf32, #tpu.memory_space<vmem>>, vector<16x512xf32>,
    %slice3A_34 = vector.extract_strided_slice %get3A_2 {offsets = [0, 0], sizes = [16, 1], strides = [1, 1]} : vector<16x512xf32> to vector<16x1xf32>
    %slice3A_35 = vector.extract_strided_slice %get3A_5 {offsets = [0, 0], sizes = [16, 1], strides = [1, 1]} : vector<16x512xf32> to vector<16x1xf32>
    %slice3A_36 = vector.extract_strided_slice %get3A_8 {offsets = [0, 0], sizes = [16, 1], strides = [1, 1]} : vector<16x512xf32> to vector<16x1xf32>
    %scan3A = arith.constant 1 : i32
    %scan3A_37 = arith.constant 255 : i32
    %scan3A_38 = arith.addi %scan3A, %scan3A_37 : i32
    %scan3A_39 = arith.constant 1 : i32
    %scan3A_40:3 = scf.for %scan3A_42 = %scan3A to %scan3A_38 step %scan3A_39 iter_args(%scan3A_43 = %slice3A_34, %scan3A_44 = %slice3A_35, %scan3A_45 = %slice3A_36) -> (vector<16x1xf32>, vector<16x1xf32>, vector<16x1xf32>)  : i32 {
      %sub3A = vector.broadcast %scan3A_43 : vector<16x1xf32> to vector<16x512xf32>
      %sub3A_46 = arith.subf %get3A_2, %sub3A : vector<16x512xf32>
      %integer_pow3A = arith.mulf %sub3A_46, %sub3A_46 : vector<16x512xf32>
      %sub3A_47 = vector.broadcast %scan3A_44 : vector<16x1xf32> to vector<16x512xf32>
      %sub3A_48 = arith.subf %get3A_5, %sub3A_47 : vector<16x512xf32>
      %integer_pow3A_49 = arith.mulf %sub3A_48, %sub3A_48 : vector<16x512xf32>
      %add3A = arith.addf %integer_pow3A, %integer_pow3A_49 : vector<16x512xf32>
      %sub3A_50 = vector.broadcast %scan3A_45 : vector<16x1xf32> to vector<16x512xf32>
      %sub3A_51 = arith.subf %get3A_8, %sub3A_50 : vector<16x512xf32>
      %integer_pow3A_52 = arith.mulf %sub3A_51, %sub3A_51 : vector<16x512xf32>
      %add3A_53 = arith.addf %add3A, %integer_pow3A_52 : vector<16x512xf32>
      %get3A_54 = arith.constant 0 : index
      %get3A_55 = arith.constant 0 : index
      %get3A_56 = vector.load %arg7[%get3A_54, %get3A_55] : memref<16x512xf32, #tpu.memory_space<vmem>>, vector<16x512xf32>
      %min3A = arith.minimumf %get3A_56, %add3A_53 : vector<16x512xf32>
      %swap3A_57 = arith.constant 0 : index
      %swap3A_58 = arith.constant 0 : index
      %swap3A_59 = vector.load %arg7[%swap3A_57, %swap3A_58] : memref<16x512xf32, #tpu.memory_space<vmem>>, vector<16x512xf32>
      tpu.vector_store %arg7[%swap3A_57, %swap3A_58], %min3A {strides = array<i32>} : memref<16x512xf32, #tpu.memory_space<vmem>>, vector<16x512xf32>,
      %reduce_max3A = arith.constant dense<0xFF800000> : vector<16xf32>
      %reduce_max3A_60 = vector.multi_reduction <maximumf>, %min3A, %reduce_max3A [1] : vector<16x512xf32> to vector<16xf32>
      %broadcast_in_dim3A_61 = vector.shape_cast %reduce_max3A_60 : vector<16xf32> to vector<16x1xf32>
      %eq3A = vector.broadcast %broadcast_in_dim3A_61 : vector<16x1xf32> to vector<16x512xf32>
      %eq3A_62 = arith.cmpf oeq, %min3A, %eq3A : vector<16x512xf32>
      %jit3A = arith.constant 512 : i32
      %broadcast_in_dim3A_63 = vector.broadcast %jit3A : i32 to vector<16x512xi32>
      %select_n3A = arith.select %eq3A_62, %iota3A, %broadcast_in_dim3A_63 : vector<16x512xi1>, vector<16x512xi32>
      %reduce_min3A = arith.constant dense<2147483647> : vector<16xi32>
      %reduce_min3A_64 = vector.multi_reduction <minsi>, %select_n3A, %reduce_min3A [1] : vector<16x512xi32> to vector<16xi32>
      %broadcast_in_dim3A_65 = vector.shape_cast %reduce_min3A_64 : vector<16xi32> to vector<16x1xi32>
      %eq3A_66 = vector.broadcast %scan3A_42 : i32 to vector<16x256xi32>
      %eq3A_67 = arith.cmpi eq, %iota3A_0, %eq3A_66 : vector<16x256xi32>
      %get3A_68 = arith.constant 0 : index
      %get3A_69 = arith.constant 0 : index
      %get3A_70 = vector.load %arg3[%get3A_68, %get3A_69] : memref<16x256xi32, #tpu.memory_space<vmem>>, vector<16x256xi32>
      %broadcast_in_dim3A_71 = vector.shape_cast %broadcast_in_dim3A_65 : vector<16x1xi32> to vector<16x1xi32>
      %broadcast_in_dim3A_72 = vector.broadcast %broadcast_in_dim3A_71 : vector<16x1xi32> to vector<16x256xi32>
      %select_n3A_73 = arith.select %eq3A_67, %broadcast_in_dim3A_72, %get3A_70 : vector<16x256xi1>, vector<16x256xi32>
      %swap3A_74 = arith.constant 0 : index
      %swap3A_75 = arith.constant 0 : index
      %swap3A_76 = vector.load %arg3[%swap3A_74, %swap3A_75] : memref<16x256xi32, #tpu.memory_space<vmem>>, vector<16x256xi32>
      tpu.vector_store %arg3[%swap3A_74, %swap3A_75], %select_n3A_73 {strides = array<i32>} : memref<16x256xi32, #tpu.memory_space<vmem>>, vector<16x256xi32>,
      %eq3A_77 = vector.broadcast %broadcast_in_dim3A_65 : vector<16x1xi32> to vector<16x512xi32>
      %eq3A_78 = arith.cmpi eq, %iota3A, %eq3A_77 : vector<16x512xi32>
      %jit3A_79 = arith.constant 0.000000e+00 : f32
      %broadcast_in_dim3A_80 = vector.broadcast %jit3A_79 : f32 to vector<16x512xf32>
      %select_n3A_81 = arith.select %eq3A_78, %get3A_2, %broadcast_in_dim3A_80 : vector<16x512xi1>, vector<16x512xf32>
      %reduce_sum3A = arith.constant dense<0.000000e+00> : vector<16xf32>
      %reduce_sum3A_82 = vector.multi_reduction <add>, %select_n3A_81, %reduce_sum3A [1] : vector<16x512xf32> to vector<16xf32>
      %broadcast_in_dim3A_83 = vector.shape_cast %reduce_sum3A_82 : vector<16xf32> to vector<16x1xf32>
      %jit3A_84 = arith.constant 0.000000e+00 : f32
      %broadcast_in_dim3A_85 = vector.broadcast %jit3A_84 : f32 to vector<16x512xf32>
      %select_n3A_86 = arith.select %eq3A_78, %get3A_5, %broadcast_in_dim3A_85 : vector<16x512xi1>, vector<16x512xf32>
      %reduce_sum3A_87 = arith.constant dense<0.000000e+00> : vector<16xf32>
      %reduce_sum3A_88 = vector.multi_reduction <add>, %select_n3A_86, %reduce_sum3A_87 [1] : vector<16x512xf32> to vector<16xf32>
      %broadcast_in_dim3A_89 = vector.shape_cast %reduce_sum3A_88 : vector<16xf32> to vector<16x1xf32>
      %jit3A_90 = arith.constant 0.000000e+00 : f32
      %broadcast_in_dim3A_91 = vector.broadcast %jit3A_90 : f32 to vector<16x512xf32>
      %select_n3A_92 = arith.select %eq3A_78, %get3A_8, %broadcast_in_dim3A_91 : vector<16x512xi1>, vector<16x512xf32>
      %reduce_sum3A_93 = arith.constant dense<0.000000e+00> : vector<16xf32>
      %reduce_sum3A_94 = vector.multi_reduction <add>, %select_n3A_92, %reduce_sum3A_93 [1] : vector<16x512xf32> to vector<16xf32>
      %broadcast_in_dim3A_95 = vector.shape_cast %reduce_sum3A_94 : vector<16xf32> to vector<16x1xf32>
      %get3A_96 = arith.constant 0 : index
      %get3A_97 = arith.constant 0 : index
      %get3A_98 = vector.load %arg4[%get3A_96, %get3A_97] : memref<16x256xf32, #tpu.memory_space<vmem>>, vector<16x256xf32>
      %broadcast_in_dim3A_99 = vector.shape_cast %broadcast_in_dim3A_83 : vector<16x1xf32> to vector<16x1xf32>
      %broadcast_in_dim3A_100 = vector.broadcast %broadcast_in_dim3A_99 : vector<16x1xf32> to vector<16x256xf32>
      %select_n3A_101 = arith.select %eq3A_67, %broadcast_in_dim3A_100, %get3A_98 : vector<16x256xi1>, vector<16x256xf32>
      %swap3A_102 = arith.constant 0 : index
      %swap3A_103 = arith.constant 0 : index
      %swap3A_104 = vector.load %arg4[%swap3A_102, %swap3A_103] : memref<16x256xf32, #tpu.memory_space<vmem>>, vector<16x256xf32>
      tpu.vector_store %arg4[%swap3A_102, %swap3A_103], %select_n3A_101 {strides = array<i32>} : memref<16x256xf32, #tpu.memory_space<vmem>>, vector<16x256xf32>,
      %get3A_105 = arith.constant 0 : index
      %get3A_106 = arith.constant 0 : index
      %get3A_107 = vector.load %arg5[%get3A_105, %get3A_106] : memref<16x256xf32, #tpu.memory_space<vmem>>, vector<16x256xf32>
      %broadcast_in_dim3A_108 = vector.shape_cast %broadcast_in_dim3A_89 : vector<16x1xf32> to vector<16x1xf32>
      %broadcast_in_dim3A_109 = vector.broadcast %broadcast_in_dim3A_108 : vector<16x1xf32> to vector<16x256xf32>
      %select_n3A_110 = arith.select %eq3A_67, %broadcast_in_dim3A_109, %get3A_107 : vector<16x256xi1>, vector<16x256xf32>
      %swap3A_111 = arith.constant 0 : index
      %swap3A_112 = arith.constant 0 : index
      %swap3A_113 = vector.load %arg5[%swap3A_111, %swap3A_112] : memref<16x256xf32, #tpu.memory_space<vmem>>, vector<16x256xf32>
      tpu.vector_store %arg5[%swap3A_111, %swap3A_112], %select_n3A_110 {strides = array<i32>} : memref<16x256xf32, #tpu.memory_space<vmem>>, vector<16x256xf32>,
      %get3A_114 = arith.constant 0 : index
      %get3A_115 = arith.constant 0 : index
      %get3A_116 = vector.load %arg6[%get3A_114, %get3A_115] : memref<16x256xf32, #tpu.memory_space<vmem>>, vector<16x256xf32>
      %broadcast_in_dim3A_117 = vector.shape_cast %broadcast_in_dim3A_95 : vector<16x1xf32> to vector<16x1xf32>
      %broadcast_in_dim3A_118 = vector.broadcast %broadcast_in_dim3A_117 : vector<16x1xf32> to vector<16x256xf32>
      %select_n3A_119 = arith.select %eq3A_67, %broadcast_in_dim3A_118, %get3A_116 : vector<16x256xi1>, vector<16x256xf32>
      %swap3A_120 = arith.constant 0 : index
      %swap3A_121 = arith.constant 0 : index
      %swap3A_122 = vector.load %arg6[%swap3A_120, %swap3A_121] : memref<16x256xf32, #tpu.memory_space<vmem>>, vector<16x256xf32>
      tpu.vector_store %arg6[%swap3A_120, %swap3A_121], %select_n3A_119 {strides = array<i32>} : memref<16x256xf32, #tpu.memory_space<vmem>>, vector<16x256xf32>,
      scf.yield %broadcast_in_dim3A_83, %broadcast_in_dim3A_89, %broadcast_in_dim3A_95 : vector<16x1xf32>, vector<16x1xf32>, vector<16x1xf32>
    }
    %scan3A_41 = arith.constant 255 : i32
    return
  }
}

module attributes {stable_mosaic.version = 14 : i64} {
  func.func @_fc_body(%arg0: memref<16x1024xf32, #tpu.memory_space<vmem>>, %arg1: memref<512x1024xf32, #tpu.memory_space<vmem>>, %arg2: memref<512xf32, #tpu.memory_space<vmem>>, %arg3: memref<512xf32, #tpu.memory_space<vmem>>, %arg4: memref<512x512xf32, #tpu.memory_space<vmem>>, %arg5: memref<512xf32, #tpu.memory_space<vmem>>, %arg6: memref<512xf32, #tpu.memory_space<vmem>>, %arg7: memref<16x512xf32, #tpu.memory_space<vmem>>) attributes {dimension_semantics = [], scalar_prefetch = 0 : i64, scratch_operands = 0 : i64, tpu.core_type = #tpu.core_type<tc>} {
    %get3A = arith.constant 0 : index
    %get3A_0 = arith.constant 0 : index
    %get3A_1 = vector.load %arg0[%get3A, %get3A_0] : memref<16x1024xf32, #tpu.memory_space<vmem>>, vector<16x1024xf32>
    %get3A_2 = arith.constant 0 : index
    %get3A_3 = arith.constant 0 : index
    %get3A_4 = vector.load %arg1[%get3A_2, %get3A_3] : memref<512x1024xf32, #tpu.memory_space<vmem>>, vector<512x1024xf32>
    %transpose3A = tpu.transpose %get3A_4, [1, 0] : vector<512x1024xf32> -> vector<1024x512xf32>
    %dot_general3A = arith.constant dense<0.000000e+00> : vector<16x512xf32>
    %dot_general3A_5 = tpu.matmul %get3A_1, %transpose3A, %dot_general3A {dimension_numbers = #tpu.dot_dimension_numbers<[1], [0], [0], [1], [0, 0, 1, 1], [], []>, transpose_lhs_hint = false} : vector<16x1024xf32>, vector<1024x512xf32>, vector<16x512xf32> -> vector<16x512xf32>
    %reduce_sum3A = arith.constant dense<0.000000e+00> : vector<512xf32>
    %reduce_sum3A_6 = vector.multi_reduction <add>, %dot_general3A_5, %reduce_sum3A [0] : vector<16x512xf32> to vector<512xf32>
    %broadcast_in_dim3A = vector.shape_cast %reduce_sum3A_6 : vector<512xf32> to vector<1x512xf32>
    %div3A = arith.constant 1.600000e+01 : f32
    %div3A_7 = vector.broadcast %div3A : f32 to vector<1x512xf32>
    %div3A_8 = arith.divf %broadcast_in_dim3A, %div3A_7 : vector<1x512xf32>
    %sub3A = vector.broadcast %div3A_8 : vector<1x512xf32> to vector<16x512xf32>
    %sub3A_9 = arith.subf %dot_general3A_5, %sub3A : vector<16x512xf32>
    %integer_pow3A = arith.mulf %sub3A_9, %sub3A_9 : vector<16x512xf32>
    %reduce_sum3A_10 = arith.constant dense<0.000000e+00> : vector<512xf32>
    %reduce_sum3A_11 = vector.multi_reduction <add>, %integer_pow3A, %reduce_sum3A_10 [0] : vector<16x512xf32> to vector<512xf32>
    %broadcast_in_dim3A_12 = vector.shape_cast %reduce_sum3A_11 : vector<512xf32> to vector<1x512xf32>
    %div3A_13 = arith.constant 1.600000e+01 : f32
    %div3A_14 = vector.broadcast %div3A_13 : f32 to vector<1x512xf32>
    %div3A_15 = arith.divf %broadcast_in_dim3A_12, %div3A_14 : vector<1x512xf32>
    %sub3A_16 = vector.broadcast %div3A_8 : vector<1x512xf32> to vector<16x512xf32>
    %sub3A_17 = arith.subf %dot_general3A_5, %sub3A_16 : vector<16x512xf32>
    %add3A = arith.constant 9.99999974E-6 : f32
    %add3A_18 = vector.broadcast %add3A : f32 to vector<1x512xf32>
    %add3A_19 = arith.addf %div3A_15, %add3A_18 : vector<1x512xf32>
    %sqrt3A = math.sqrt %add3A_19 : vector<1x512xf32>
    %div3A_20 = vector.broadcast %sqrt3A : vector<1x512xf32> to vector<16x512xf32>
    %div3A_21 = arith.divf %sub3A_17, %div3A_20 : vector<16x512xf32>
    %get3A_22 = arith.constant 0 : index
    %get3A_23 = vector.load %arg2[%get3A_22] : memref<512xf32, #tpu.memory_space<vmem>>, vector<512xf32>
    %broadcast_in_dim3A_24 = vector.shape_cast %get3A_23 : vector<512xf32> to vector<1x512xf32>
    %mul3A = vector.broadcast %broadcast_in_dim3A_24 : vector<1x512xf32> to vector<16x512xf32>
    %mul3A_25 = arith.mulf %div3A_21, %mul3A : vector<16x512xf32>
    %get3A_26 = arith.constant 0 : index
    %get3A_27 = vector.load %arg3[%get3A_26] : memref<512xf32, #tpu.memory_space<vmem>>, vector<512xf32>
    %broadcast_in_dim3A_28 = vector.shape_cast %get3A_27 : vector<512xf32> to vector<1x512xf32>
    %add3A_29 = vector.broadcast %broadcast_in_dim3A_28 : vector<1x512xf32> to vector<16x512xf32>
    %add3A_30 = arith.addf %mul3A_25, %add3A_29 : vector<16x512xf32>
    %max3A = arith.constant 0.000000e+00 : f32
    %max3A_31 = vector.broadcast %max3A : f32 to vector<16x512xf32>
    %max3A_32 = arith.maximumf %add3A_30, %max3A_31 : vector<16x512xf32>
    %get3A_33 = arith.constant 0 : index
    %get3A_34 = arith.constant 0 : index
    %get3A_35 = vector.load %arg4[%get3A_33, %get3A_34] : memref<512x512xf32, #tpu.memory_space<vmem>>, vector<512x512xf32>
    %transpose3A_36 = tpu.transpose %get3A_35, [1, 0] : vector<512x512xf32> -> vector<512x512xf32>
    %dot_general3A_37 = arith.constant dense<0.000000e+00> : vector<16x512xf32>
    %dot_general3A_38 = tpu.matmul %max3A_32, %transpose3A_36, %dot_general3A_37 {dimension_numbers = #tpu.dot_dimension_numbers<[1], [0], [0], [1], [0, 0, 1, 1], [], []>, transpose_lhs_hint = false} : vector<16x512xf32>, vector<512x512xf32>, vector<16x512xf32> -> vector<16x512xf32>
    %reduce_sum3A_39 = arith.constant dense<0.000000e+00> : vector<512xf32>
    %reduce_sum3A_40 = vector.multi_reduction <add>, %dot_general3A_38, %reduce_sum3A_39 [0] : vector<16x512xf32> to vector<512xf32>
    %broadcast_in_dim3A_41 = vector.shape_cast %reduce_sum3A_40 : vector<512xf32> to vector<1x512xf32>
    %div3A_42 = arith.constant 1.600000e+01 : f32
    %div3A_43 = vector.broadcast %div3A_42 : f32 to vector<1x512xf32>
    %div3A_44 = arith.divf %broadcast_in_dim3A_41, %div3A_43 : vector<1x512xf32>
    %sub3A_45 = vector.broadcast %div3A_44 : vector<1x512xf32> to vector<16x512xf32>
    %sub3A_46 = arith.subf %dot_general3A_38, %sub3A_45 : vector<16x512xf32>
    %integer_pow3A_47 = arith.mulf %sub3A_46, %sub3A_46 : vector<16x512xf32>
    %reduce_sum3A_48 = arith.constant dense<0.000000e+00> : vector<512xf32>
    %reduce_sum3A_49 = vector.multi_reduction <add>, %integer_pow3A_47, %reduce_sum3A_48 [0] : vector<16x512xf32> to vector<512xf32>
    %broadcast_in_dim3A_50 = vector.shape_cast %reduce_sum3A_49 : vector<512xf32> to vector<1x512xf32>
    %div3A_51 = arith.constant 1.600000e+01 : f32
    %div3A_52 = vector.broadcast %div3A_51 : f32 to vector<1x512xf32>
    %div3A_53 = arith.divf %broadcast_in_dim3A_50, %div3A_52 : vector<1x512xf32>
    %sub3A_54 = vector.broadcast %div3A_44 : vector<1x512xf32> to vector<16x512xf32>
    %sub3A_55 = arith.subf %dot_general3A_38, %sub3A_54 : vector<16x512xf32>
    %add3A_56 = arith.constant 9.99999974E-6 : f32
    %add3A_57 = vector.broadcast %add3A_56 : f32 to vector<1x512xf32>
    %add3A_58 = arith.addf %div3A_53, %add3A_57 : vector<1x512xf32>
    %sqrt3A_59 = math.sqrt %add3A_58 : vector<1x512xf32>
    %div3A_60 = vector.broadcast %sqrt3A_59 : vector<1x512xf32> to vector<16x512xf32>
    %div3A_61 = arith.divf %sub3A_55, %div3A_60 : vector<16x512xf32>
    %get3A_62 = arith.constant 0 : index
    %get3A_63 = vector.load %arg5[%get3A_62] : memref<512xf32, #tpu.memory_space<vmem>>, vector<512xf32>
    %broadcast_in_dim3A_64 = vector.shape_cast %get3A_63 : vector<512xf32> to vector<1x512xf32>
    %mul3A_65 = vector.broadcast %broadcast_in_dim3A_64 : vector<1x512xf32> to vector<16x512xf32>
    %mul3A_66 = arith.mulf %div3A_61, %mul3A_65 : vector<16x512xf32>
    %get3A_67 = arith.constant 0 : index
    %get3A_68 = vector.load %arg6[%get3A_67] : memref<512xf32, #tpu.memory_space<vmem>>, vector<512xf32>
    %broadcast_in_dim3A_69 = vector.shape_cast %get3A_68 : vector<512xf32> to vector<1x512xf32>
    %add3A_70 = vector.broadcast %broadcast_in_dim3A_69 : vector<1x512xf32> to vector<16x512xf32>
    %add3A_71 = arith.addf %mul3A_66, %add3A_70 : vector<16x512xf32>
    %max3A_72 = arith.constant 0.000000e+00 : f32
    %max3A_73 = vector.broadcast %max3A_72 : f32 to vector<16x512xf32>
    %max3A_74 = arith.maximumf %add3A_71, %max3A_73 : vector<16x512xf32>
    %swap3A = arith.constant 0 : index
    %swap3A_75 = arith.constant 0 : index
    %swap3A_76 = vector.load %arg7[%swap3A, %swap3A_75] : memref<16x512xf32, #tpu.memory_space<vmem>>, vector<16x512xf32>
    tpu.vector_store %arg7[%swap3A, %swap3A_75], %max3A_74 {strides = array<i32>} : memref<16x512xf32, #tpu.memory_space<vmem>>, vector<16x512xf32>,
    return
  }
}

</mosaic_0001>

<sc_bundles>
// kernel: sparse-core-data-format-call.1.cloned.1.call-start
scs
called_computation.1_lowered:
.L_overlay_start_0:
0x0: {  	s1 =	sld [smem:$0x3FD9]  }
0x1: {  	s2 =	sld [smem:$0x3FFE];
	_ =	sdelay $0x1  }
0x2: {  	s3 =	srdreg.scid  }
0x3: {  	s0 =	sand.u32 $0x1, s3  }
0x4: {  	s17 =	sshll.u32 s0, $0xA;
	s1 =	sadd.s32 s2, s1  }
0x5: {  	s1 =	sadd.s32 s1, s17  }
0x6: {  	[smem:$0x3FA9] =	sst s1  }
0x7: {  	_ = 	snop  }
0x8: {  	(tm) =	ssettm $0x1  }
0x9: {  	s18 =	sld [smem:$0x3FFB];
	_ =	sdelay $0x3  }
0xa: {  	_ =	strace s18  }
0xb: {  	s1 =	sld [smem:$0x3FFC];
	_ =	sdelay $0x3  }
0xc: {  	_ =	strace s1  }
0xd: {  	s1 =	sld [smem:$0x3FFD];
	_ =	sdelay $0x3  }
0xe: {  	_ =	strace s1  }
0xf: {  	_ =	strace $0x8FFFFFFF  }
0x10: {  	s19 =	sld [smem:$0x3FDB];
	_ =	sdelay $0x1  }
0x11: {  	s20 =	simm.s32 $_scs_section_size  }
0x12: {  	s4 =	simm.s32 $_size__tile_overlayer_lowered;
	s5 =	simm.s32 $_tile_overlayer_lowered  }
0x13: {  	s23 =	simm.s32 $0x1BFF;
	s22 =	sshll.u32 s5, $0x1;
	s1 =	sadd.s32 s20, s19  }
0x14: {  	s6 =	simm.s32 $0x0;
	s21 =	sshll.u32 s4, $0x1;
	s4 =	sadd.s32 s22, s1  }
0x15: {  	[timem:s6], [sflag:s23] =	dma.local [hbm:s4], s21  }
0x16: {  	_ =	swait.ge [sflag:s23], s21  }
0x17: {  	s2 =	ssub.s32 $0x0, s21;
	[sflag:s23] =	ssyncset.done $0x0  }
0x18: {  	[sflag:s23] =	ssyncadd.s32 s2;
	_ =	sdelay $0x1  }
0x19: {  	s24 =	simm.s32 $0x1B8B  }
0x1a: {  	_ =	swait.ge [sflag:s24], $0x1  }
0x1b: {  	[sflag:s24] =	ssyncset.done $0x0  }
0x1c: {  	s26 =	simm.s32 $0x1B8E;
	s25 =	sld [smem:$0x3FFE];
	[sflag:s24] =	ssyncadd.s32 $0xFFFFFFFF  }
0x1d: {  	s27 =	simm.s32 $execute0_lowered;
	[smem:$0x3FD2] =	sst s26  }
0x1e: {  	s4 =	sshll.u32 s27, $0x1;
	_ =	strace $0x8000004C;
	[dreg:$0x1] =	wrdreg $0xFFFFFFFF  }
0x1f: {  	s28 =	simm.s32 $_size_execute0_lowered;
	s1 =	sadd.s32 s1, s4;
	[dreg:$0x0] =	wrdreg $0x0  }
0x20: {  	s4 =	sshll.u32 s28, $0x1;
	[dreg:$0x2] =	wrdreg s1  }
0x21: {  	[dreg:$0x3] =	wrdreg s4  }
0x22: {  	[dreg:$0x4] =	wrdreg $0xC0  }
0x23: {  	_ =	task [dreg:s6], $0x5FFFF  }
0x24: {  	[dreg:$0x1] =	wrdreg $0xFFFFFFFF  }
0x25: {  	[dreg:$0x0] =	wrdreg $0x60  }
0x26: {  	[dreg:$0x2] =	wrdreg s25  }
0x27: {  	[dreg:$0x3] =	wrdreg $0x9  }
0x28: {  	_ =	task.clear_ibuf [dreg:s6], $0x4FFFF;
	_ =	strace $0x9000004C  }
0x29: {  	s29 =	simm.s32 $0x9;
	_ =	strace $0x8000004E  }
0x2a: {  	_ =	swait.ge [sflag:s29], $0x1  }
0x2b: {  	[sflag:s29] =	ssyncadd.s32 $0xFFFFFFFF  }
0x2c: {  	_ =	strace $0x9000004E  }
0x2d: {  	_ =	sfence  }
0x2e: {  	s30 =	sld [smem:$0x0];
	_ =	sdelay $0x2  }
0x2f: {  	s31 =	sshll.u32 s3, $0xD;
	s3 =	sshrl.u32 s3, $0x2  }
0x30: {  	s2 =	sand.u32 $0x4000, s31;
	s1 =	sadd.s32 s3, s30  }
0x31: {  	s0 =	sor.u32 s2, s0;
	s1 =	sshll.u32 s1, $0x11  }
0x32: {  	s0 =	sor.u32 s1, s0  }
0x33: {  	s0 =	sadd.s32 $0x8F2B, s0  }
0x34: {  	[sflag:s0] =	ssyncadd.remote.s32 $0x1  }
0x35: {  	_ =	sfence.sel $0xFFFF  }
0x36: {  	[dreg:$0x0] =	wrdreg $0xFFFFFFFF;
	(pc) =	sbr.abs _section_cstart, $3  }
0x37: {  	[dreg:$0x1] =	wrdreg $0xFFFFFFFF  }
0x38: {  	_ =	task.clear_ibuf [dreg:s6], $0x2FFFF;
	_ =	strace $0x9FFFFFFF  }
0x39: {  	(tm) =	ssettm $0x7FFFFFFF  }
tec
execute0_lowered:
.L_overlay_start_1:
0x0: {  	(tag) =	ssettag $0x1  }
0x1: {  	s0 =	srdreg.scid;
	s3 =	rddreg [dreg:$0x0];
	s5 =	simm.s32 $0x1  }
0x2: {  	s7 =	simm.s32 $0x2;
	s14 =	simm.s32 $0x0;
	p0 =	por $0x0, $0x0  }
0x3: {  	s8 =	simm.s32 $0x800;
	s13 =	simm.s32 $0x0;
	s1 =	sshll.u32 s0, $0x7  }
0x4: {  	s15 =	simm.s32 $0x0;
	s9 =	simm.s32 $0x0;
	s1 =	sand.u32 $0x80, s1  }
0x5: {  	s0 =	rddreg [dreg:$0x1];
	_ =	strace $0x8000004D;
	s6 =	ssub.s32 $0x200, s1  }
.Ltmp0:
0x6: {  	s2 =	sadd.s32 $0x73400, s3;
	s31 =	sshrl.u32 s6, $0x7;
	(pc) =	sbr.rel .LBB1_1-.Ltmp0, $4  }
0x7: {  	s4 =	sadd.s32 $0x473400, s3;
	s6 =	sshrl.u32 s6, $0x8;
	s3 =	sand.u32 $0x1, s31  }
0x8: {  	s11 =	stileid.u32;
	[sflag:s5] =	ssyncpa.u1 $0x0;
	s6 =	sadd.s32 s6, s3  }
0x9: {  	s12 =	simm.s32 $0x0;
	[sflag:s7] =	ssyncpa.u1 $0x0;
	s6 =	sshll.u32 s6, $0x5  }
0xa: {  	s10 =	smov.u32 s1;
	s3 =	stileid.u32;
	s7 =	sor.u32 $0x1, s6  }
.LBB1_4:
0xb: {  	v11 =	vld [tilespmem:s19+$0xFFFFFFE0];
	v12 =	vcombine.low v6, v7  }
0xc: {  	v3 =	vperm.xlane.i2c.b16 v3;
	[tilespmem:s21+$0x3870 ss:$0x81] =	vst.msk $0xffff, v9;
	v45 =	vld [tilespmem:s19+$0xFFFFFFF0];
	v4 =	vperm.xlane.i2c.b16 v4  }
0xd: {  	v46 =	vcombine.high v6, v7;
	[tilespmem:s18+$0x2040 ss:$0x81] =	vst.msk $0xffff, v10;
	v47 =	vld [tilespmem:s19+$0x0];
	v5 =	vperm.xlane.i2c.b16 v5  }
0xe: {  	v49 =	vld [tilespmem:s19+$0x10];
	v1 =	vperm.xlane.i2c.b16 v1;
	[tilespmem:s21+$0x810 ss:$0x81] =	vst.msk $0xffff, v12;
	v48 =	vcombine.low v8, v3  }
0xf: {  	v51 =	vld [tilespmem:s19+$0xFFFFFFC0];
	v58 =	vperm.xlane.i2c.b16 v2;
	v50 =	vcombine.low v4, v0;
	[tilespmem:s21+$0x2850 ss:$0x81] =	vst.msk $0xffff, v46  }
0x10: {  	s27 =	sshra.s32 s20, $0x2;
	v3 =	vcombine.high v8, v3;
	v52 =	vcombine.low v1, v5;
	[tilespmem:s21+$0x1020 ss:$0x81] =	vst.msk $0xffff, v48  }
0x11: {  	s16 =	sadd.s32 s27, s16;
	v1 =	vcombine.high v1, v5;
	v55 =	vcombine.high v4, v0;
	[tilespmem:s21+$0x0 ss:$0x81] =	vst.msk $0xffff, v50  }
0x12: {  	[tilespmem:s16+$0x1830 ss:$0x81] =	vst.msk $0xffff, v52;
	v11 =	vperm.xlane.i2c.b16 v11;
	v53 =	vperm.xlane.i2c.b16 v45  }
0x13: {  	[tilespmem:s21+$0x3060 ss:$0x81] =	vst.msk $0xffff, v3;
	v54 =	vperm.xlane.i2c.b16 v47;
	v57 =	vperm.xlane.i2c.b16 v49  }
0x14: {  	[tilespmem:s16+$0x3870 ss:$0x81] =	vst.msk $0xffff, v1;
	v60 =	vperm.xlane.i2c.b16 v51;
	v56 =	vcombine.low v11, v53  }
0x15: {  	[tilespmem:s21+$0x2040 ss:$0x81] =	vst.msk $0xffff, v55;
	v61 =	vcombine.low v54, v57  }
0x16: {  	v63 =	vcombine.low v60, v58;
	[tilespmem:s16+$0x810 ss:$0x81] =	vst.msk $0xffff, v56  }
0x17: {  	s15 =	sshll.u32 s15, $0x12;
	s28 =	sshrl.u32 s13, $0x1;
	v59 =	vcombine.high v11, v53;
	[tilespmem:s16+$0x1020 ss:$0x81] =	vst.msk $0xffff, v61  }
0x18: {  	s14 =	sshll.u32 s14, $0xC;
	s29 =	sshrl.u32 s13, $0x3;
	s15 =	sadd.s32 s4, s15;
	v62 =	vcombine.high v54, v57;
	[tilespmem:s16+$0x0 ss:$0x81] =	vst.msk $0xffff, v63  }
0x19: {  	s30 =	sand.u32 $0x7, s13;
	s18 =	sand.u32 $0xFC0, s28;
	s14 =	sadd.s32 s14, s15;
	v0 =	vcombine.high v60, v58;
	[tilespmem:s16+$0x2850 ss:$0x81] =	vst.msk $0xffff, v59  }
0x1a: {  	s31 =	sand.u32 $0xF, s29;
	s13 =	sshll.u32 s30, $0x12;
	s14 =	sadd.s32 s18, s14;
	[tilespmem:s16+$0x3060 ss:$0x81] =	vst.msk $0xffff, v62  }
0x1b: {  	s13 =	sor.u32 $0x200, s13;
	s14 =	sadd.s32 s31, s14;
	[tilespmem:s16+$0x2040 ss:$0x81] =	vst.msk $0xffff, v0  }
0x1c: {  	[hbm4b:s14+s13] =	stream.strided.scatter [tilespmem:s17], [sflag:$0x2], $0x4000, s8, s13, $0x20;
	[tilespmem:$0x10100] =	vst v63  }
.LBB1_5:
0x1d: {  	s16 =	sadd.s32 $0x2, s9  }
0x1e: {  	s13 =	sadd.s32 $0x100, s10;
	s17 =	smov.u32 s10;
	p2 =	sgt.s32 s16, $0x3F  }
0x1f: {  	s17 =	smov.u32 @p2 s13  }
0x20: {  	s19 =	smov.u32 s11;
	s13 =	sadd.s32 $0x10, s11;
	p3 =	sgt.s32 s17, $0x1FF  }
0x21: {  	s19 =	smov.u32 @p3 s13  }
0x22: {  	s16 =	simm.s32 @p2 $0x0;
	p2 =	sgt.s32 s19, $0xF  }
0x23: {  	p1 =	slt.u32 s12, $0x2;
	s19 =	smov.u32 @p2 s3;
	p2 =	sne.s32 s12, s7  }
.Ltmp1:
0x24: {  	s18 =	simm.s32 @!p1 $0x2;
	(pc) =	sbr.rel @!p2 .LBB1_6-.Ltmp1, $4  }
0x25: {  	s14 =	smov.u32 s9;
	s15 =	smov.u32 s11;
	_ =	swait.ge @!p1 [sflag:s18], $0x4000  }
0x26: {  	p0 =	por !p0, !p0;
	[sflag:s18] =	ssyncset.done @!p1 $0x0;
	s9 =	smov.u32 s16  }
0x27: {  	s17 =	smov.u32 @p3 s1;
	s13 =	smov.u32 s10;
	[sflag:s18] =	ssyncadd.s32 @!p1 $0xFFFFC000  }
0x28: {  	s10 =	smov.u32 s17;
	s12 =	sadd.s32 $0x1, s12;
	s11 =	smov.u32 s19  }
.LBB1_1:
0x29: {  	p1 =	sge.u32 s12, s6;
	s31 =	sadd.s32 $0xFFFFFFFF, s12  }
0x2a: {  	s16 =	sshll.u32 @!p1 s11, $0x12;
	s17 =	sshll.u32 @!p1 s10, $0x9;
	s18 =	sshll.u32 @!p1 s9, $0x3  }
0x2b: {  	s19 =	sxor.u32 @!p1 $0xFFFFFFFF, s12;
	s16 =	sadd.s32 @!p1 s2, s16;
	s18 =	sand.u32 @!p1 $0x1F0, s18  }
0x2c: {  	s16 =	sadd.s32 @!p1 s17, s16;
	s17 =	sshll.u32 @!p1 s19, $0xE;
	s19 =	simm.s32 @!p1 $0x1000  }
0x2d: {  	s16 =	sadd.s32 @!p1 s18, s16;
	s17 =	sand.u32 @!p1 $0x4000, s17;
	s18 =	simm.s32 @!p1 $0x80  }
0x2e: {  	[tilespmem:s17], [sflag:$0x1] =	stream.strided.gather @!p1 [hbm4b:s16+s18], $0x4000, s19, s18, $0x38;
	[tilespmem:$0x10100] =	vst v63  }
0x2f: {  	p1 =	sge.u32 s31, s6  }
.Ltmp2:
0x30: {  	_ = 	snop;
	(pc) =	sbr.rel @p1 .LBB1_5-.Ltmp2, $1  }
0x31: {  	_ =	sdelay $0x3  }
0x32: {  	s16 =	simm.s32 $0x1  }
0x33: {  	_ =	swait.ge [sflag:s5], $0x4000;
	s16 =	simm.s32 @!p0 $0x0  }
0x34: {  	[sflag:s5] =	ssyncset.done $0x0;
	s17 =	sshll.u32 s16, $0xE  }
0x35: {  	[sflag:s5] =	ssyncadd.s32 $0xFFFFC000;
	s17 =	sor.u32 $0x40, s17  }
0x36: {  	v0 =	vld [tilespmem:s17+$0x20]  }
0x37: {  	v1 =	vld [tilespmem:s17+$0x30]  }
0x38: {  	v2 =	vld [tilespmem:s17+$0xFFFFFFD0]  }
0x39: {  	v3 =	vld [tilespmem:s17+$0xFFFFFFE0]  }
0x3a: {  	v4 =	vld [tilespmem:s17+$0xFFFFFFF0]  }
0x3b: {  	v5 =	vld [tilespmem:s17+$0x0]  }
0x3c: {  	v6 =	vld [tilespmem:s17+$0x10]  }
0x3d: {  	v7 =	vld [tilespmem:s17+$0xFFFFFFC0]  }
0x3e: {  	s16 =	smul.u32 $0x10200, s16;
	v1 =	vperm.xlane.i2c.b16 v1;
	v0 =	vperm.xlane.i2c.b16 v0  }
0x3f: {  	s17 =	sadd.s32 $0x80, s17;
	v10 =	vperm.xlane.i2c.b16 v2;
	v3 =	vperm.xlane.i2c.b16 v3  }
0x40: {  	s16 =	sshrl.u32 s16, $0x2;
	v9 =	vld [tilespmem:s17+$0x30];
	v4 =	vperm.xlane.i2c.b16 v4;
	v5 =	vperm.xlane.i2c.b16 v5  }
0x41: {  	s16 =	sor.u32 $0x8000, s16;
	v2 =	vld [tilespmem:s17+$0x20];
	v6 =	vperm.xlane.i2c.b16 v6;
	v8 =	vcombine.low v0, v1  }
0x42: {  	v12 =	vld [tilespmem:s17+$0xFFFFFFF0];
	s18 =	sadd.s32 $0x0, s16;
	v13 =	vperm.xlane.i2c.b16 v7;
	v11 =	vcombine.low v3, v4  }
0x43: {  	v0 =	vcombine.high v0, v1;
	v1 =	vld [tilespmem:s17+$0xFFFFFFD0];
	v7 =	vcombine.low v5, v6;
	[tilespmem:s18+$0x1830 ss:$0x81] =	vst.msk $0xffff, v8  }
0x44: {  	v8 =	vld [tilespmem:s17+$0xFFFFFFE0];
	[tilespmem:s18+$0x810 ss:$0x81] =	vst.msk $0xffff, v11  }
0x45: {  	v14 =	vld [tilespmem:s17+$0x0];
	v9 =	vperm.xlane.i2c.b16 v9;
	v5 =	vcombine.high v5, v6;
	[tilespmem:s18+$0x1020 ss:$0x81] =	vst.msk $0xffff, v7  }
0x46: {  	s19 =	sand.u32 $0x1, s12;
	[tilespmem:s18+$0x3870 ss:$0x81] =	vst.msk $0xffff, v0;
	v0 =	vcombine.high v3, v4;
	v3 =	vld [tilespmem:s17+$0x10];
	v2 =	vperm.xlane.i2c.b16 v2  }
0x47: {  	s20 =	smul.u32 $0x10200, s19;
	s19 =	sadd.s32 $0x80, s17;
	v11 =	vcombine.low v13, v10;
	v7 =	vperm.xlane.i2c.b16 v12;
	v4 =	vld [tilespmem:s17+$0xFFFFFFC0];
	[tilespmem:s18+$0x3060 ss:$0x81] =	vst.msk $0xffff, v5  }
0x48: {  	v5 =	vld [tilespmem:s19+$0x30];
	[tilespmem:s18+$0x2850 ss:$0x81] =	vst.msk $0xffff, v0;
	v0 =	vperm.xlane.i2c.b16 v1;
	v15 =	vcombine.low v2, v9  }
0x49: {  	s31 =	sshrl.u32 s20, $0x2;
	s21 =	sadd.s32 $0x1, s16;
	[tilespmem:s18+$0x0 ss:$0x81] =	vst.msk $0xffff, v11;
	v1 =	vld [tilespmem:s19+$0x20];
	v9 =	vcombine.high v2, v9;
	v6 =	vperm.xlane.i2c.b16 v8  }
0x4a: {  	s22 =	simm.s32 $0xC;
	s20 =	simm.s32 $0x8;
	v10 =	vcombine.high v13, v10;
	s17 =	sor.u32 $0x8000, s31;
	v2 =	vld [tilespmem:s19+$0xFFFFFFD0];
	v8 =	vperm.xlane.i2c.b16 v14;
	[tilespmem:s21+$0x1830 ss:$0x81] =	vst.msk $0xffff, v15  }
.LBB1_3:
0x4b: {  	p1 =	sne.s32 s22, $0x1FC;
	v11 =	vld [tilespmem:s19+$0xFFFFFFE0];
	v12 =	vcombine.low v6, v7;
	v3 =	vperm.xlane.i2c.b16 v3;
	[tilespmem:s21+$0x3870 ss:$0x81] =	vst.msk $0xffff, v9  }
0x4c: {  	v13 =	vperm.xlane.i2c.b16 v4;
	v4 =	vcombine.high v6, v7;
	v9 =	vld [tilespmem:s19+$0xFFFFFFF0];
	[tilespmem:s18+$0x2040 ss:$0x81] =	vst.msk $0xffff, v10;
	s18 =	smov.u32 s21  }
0x4d: {  	v10 =	vld [tilespmem:s19+$0x0];
	[tilespmem:s18+$0x810 ss:$0x81] =	vst.msk $0xffff, v12;
	v6 =	vcombine.low v8, v3;
	v7 =	vcombine.high v8, v3  }
.Ltmp3:
0x4e: {  	v8 =	vperm.xlane.i2c.b16 v5;
	v12 =	vperm.xlane.i2c.b16 v1;
	v3 =	vld [tilespmem:s19+$0x10];
	[tilespmem:s18+$0x2850 ss:$0x81] =	vst.msk $0xffff, v4;
	(pc) =	sbr.rel @p1 .LBB1_3-.Ltmp3, $4  }
0x4f: {  	v14 =	vperm.xlane.i2c.b16 v2;
	v2 =	vcombine.low v13, v0;
	v4 =	vld [tilespmem:s19+$0xFFFFFFC0];
	s19 =	sadd.s32 $0x80, s19;
	[tilespmem:s18+$0x1020 ss:$0x81] =	vst.msk $0xffff, v6  }
0x50: {  	s21 =	sshra.s32 s20, $0x2;
	s20 =	smov.u32 s22;
	v1 =	vld [tilespmem:s19+$0x20];
	v6 =	vperm.xlane.i2c.b16 v11;
	v11 =	vcombine.low v12, v8;
	[tilespmem:s18+$0x3060 ss:$0x81] =	vst.msk $0xffff, v7  }
0x51: {  	s21 =	sadd.s32 s21, s16;
	v5 =	vld [tilespmem:s19+$0x30];
	v7 =	vperm.xlane.i2c.b16 v9;
	v9 =	vcombine.high v12, v8;
	[tilespmem:s18+$0x0 ss:$0x81] =	vst.msk $0xffff, v2  }
0x52: {  	s22 =	sadd.s32 $0x4, s22;
	v2 =	vld [tilespmem:s19+$0xFFFFFFD0];
	v8 =	vperm.xlane.i2c.b16 v10;
	[tilespmem:s21+$0x1830 ss:$0x81] =	vst.msk $0xffff, v11;
	v10 =	vcombine.high v13, v0;
	v0 =	vmov v14  }
.Ltmp4:
0x53: {  	_ = 	snop;
	(pc) =	sbr.rel .LBB1_4-.Ltmp4, $1  }
0x54: {  	_ =	sdelay $0x3  }
.LBB1_6:
0x55: {  	_ =	sfence.sel $0x180000  }
0x56: {  	s1 =	simm.s32 $0x1;
	[bflag:$0x0] =	sbarrier.arrive $0xFFFF  }
0x57: {  	s31 =	simm.s32 $0x2;
	[sflag:s1] =	ssyncpa.u1 $0x1  }
0x58: {  	[sflag:s31] =	ssyncpa.u1 $0x1  }
0x59: {  	p0 =	sne.s32 s3, $0x0;
	_ =	strace $0x9000004D  }
0x5a: {  	s0 =	sadd.s32 @!p0 $0x100000, s0;
	[bflag:$0x2] =	sbarrier.arrive $0xFFFF  }
0x5b: {  	[sflag:s0] =	ssyncadd.tile.s32 @!p0 $0x1;
	_ =	shalt  }
.Lfunc_end1:
_tile_overlayer_lowered:
.L_overlay_start_2:
0x5c: {  	(tag) =	ssettag $0x2  }
0x5d: {  	s0 =	rddreg [dreg:$0x0];
	s2 =	stileid.u32  }
0x5e: {  	s1 =	rddreg [dreg:$0x1];
	p0 =	sne.s32 s2, $0x0  }
0x5f: {  	s3 =	rddreg [dreg:$0x2];
	[bflag:$0x3] =	sbarrier.arrive $0xFFFF;
	s2 =	simm.s32 @!p0 $0x1C01  }
0x60: {  	[timem:s3], [sflag:s2] =	dma.local @!p0 [hbm:s0], s1  }
0x61: {  	s0 =	simm.s32 @!p0 $0x1  }
0x62: {  	_ =	swait.ge @!p0 [sflag:s0], s1  }
0x63: {  	s1 =	ssub.s32 @!p0 $0x0, s1;
	[sflag:s0] =	ssyncset.done @!p0 $0x0  }
0x64: {  	[sflag:s0] =	ssyncadd.s32 @!p0 s1  }
0x65: {  	[bflag:$0x3] =	sbarrier.arrive $0xFFFF  }
0x66: {  	_ =	shalt  }

// kernel: sparse-core-data-format-call.2.cloned.1.call-start
scs
called_computation.2_lowered:
.L_overlay_start_0:
0x0: {  	s1 =	sld [smem:$0x3FD9]  }
0x1: {  	s2 =	sld [smem:$0x3FFE];
	_ =	sdelay $0x1  }
0x2: {  	s3 =	srdreg.scid  }
0x3: {  	s0 =	sand.u32 $0x1, s3  }
0x4: {  	s17 =	sshll.u32 s0, $0xA;
	s1 =	sadd.s32 s2, s1  }
0x5: {  	s1 =	sadd.s32 s1, s17  }
0x6: {  	[smem:$0x3FA9] =	sst s1  }
0x7: {  	_ = 	snop  }
0x8: {  	(tm) =	ssettm $0x1  }
0x9: {  	s18 =	sld [smem:$0x3FFB];
	_ =	sdelay $0x3  }
0xa: {  	_ =	strace s18  }
0xb: {  	s1 =	sld [smem:$0x3FFC];
	_ =	sdelay $0x3  }
0xc: {  	_ =	strace s1  }
0xd: {  	s1 =	sld [smem:$0x3FFD];
	_ =	sdelay $0x3  }
0xe: {  	_ =	strace s1  }
0xf: {  	_ =	strace $0x8FFFFFFF  }
0x10: {  	s19 =	sld [smem:$0x3FDB];
	_ =	sdelay $0x1  }
0x11: {  	s20 =	simm.s32 $_scs_section_size  }
0x12: {  	s4 =	simm.s32 $_size__tile_overlayer_lowered;
	s5 =	simm.s32 $_tile_overlayer_lowered  }
0x13: {  	s23 =	simm.s32 $0x1BFF;
	s22 =	sshll.u32 s5, $0x1;
	s1 =	sadd.s32 s20, s19  }
0x14: {  	s6 =	simm.s32 $0x0;
	s21 =	sshll.u32 s4, $0x1;
	s4 =	sadd.s32 s22, s1  }
0x15: {  	[timem:s6], [sflag:s23] =	dma.local [hbm:s4], s21  }
0x16: {  	_ =	swait.ge [sflag:s23], s21  }
0x17: {  	s2 =	ssub.s32 $0x0, s21;
	[sflag:s23] =	ssyncset.done $0x0  }
0x18: {  	[sflag:s23] =	ssyncadd.s32 s2;
	_ =	sdelay $0x1  }
0x19: {  	s24 =	simm.s32 $0x1B8B  }
0x1a: {  	_ =	swait.ge [sflag:s24], $0x1  }
0x1b: {  	[sflag:s24] =	ssyncset.done $0x0  }
0x1c: {  	s26 =	simm.s32 $0x1B8E;
	s25 =	sld [smem:$0x3FFE];
	[sflag:s24] =	ssyncadd.s32 $0xFFFFFFFF  }
0x1d: {  	s27 =	simm.s32 $execute0_lowered;
	[smem:$0x3FD2] =	sst s26  }
0x1e: {  	s4 =	sshll.u32 s27, $0x1;
	_ =	strace $0x80000046;
	[dreg:$0x1] =	wrdreg $0xFFFFFFFF  }
0x1f: {  	s28 =	simm.s32 $_size_execute0_lowered;
	s1 =	sadd.s32 s1, s4;
	[dreg:$0x0] =	wrdreg $0x0  }
0x20: {  	s4 =	sshll.u32 s28, $0x1;
	[dreg:$0x2] =	wrdreg s1  }
0x21: {  	[dreg:$0x3] =	wrdreg s4  }
0x22: {  	[dreg:$0x4] =	wrdreg $0xC0  }
0x23: {  	_ =	task [dreg:s6], $0x5FFFF  }
0x24: {  	[dreg:$0x1] =	wrdreg $0xFFFFFFFF  }
0x25: {  	[dreg:$0x0] =	wrdreg $0x60  }
0x26: {  	[dreg:$0x2] =	wrdreg s25  }
0x27: {  	[dreg:$0x3] =	wrdreg $0x9  }
0x28: {  	_ =	task.clear_ibuf [dreg:s6], $0x4FFFF;
	_ =	strace $0x90000046  }
0x29: {  	s29 =	simm.s32 $0x9;
	_ =	strace $0x80000048  }
0x2a: {  	_ =	swait.ge [sflag:s29], $0x1  }
0x2b: {  	[sflag:s29] =	ssyncadd.s32 $0xFFFFFFFF  }
0x2c: {  	_ =	strace $0x90000048  }
0x2d: {  	_ =	sfence  }
0x2e: {  	s30 =	sld [smem:$0x0];
	_ =	sdelay $0x2  }
0x2f: {  	s31 =	sshll.u32 s3, $0xD;
	s3 =	sshrl.u32 s3, $0x2  }
0x30: {  	s2 =	sand.u32 $0x4000, s31;
	s1 =	sadd.s32 s3, s30  }
0x31: {  	s0 =	sor.u32 s2, s0;
	s1 =	sshll.u32 s1, $0x11  }
0x32: {  	s0 =	sor.u32 s1, s0  }
0x33: {  	s0 =	sadd.s32 $0x8F2B, s0  }
0x34: {  	[sflag:s0] =	ssyncadd.remote.s32 $0x1  }
0x35: {  	_ =	sfence.sel $0xFFFF  }
0x36: {  	[dreg:$0x0] =	wrdreg $0xFFFFFFFF;
	(pc) =	sbr.abs _section_cstart, $3  }
0x37: {  	[dreg:$0x1] =	wrdreg $0xFFFFFFFF  }
0x38: {  	_ =	task.clear_ibuf [dreg:s6], $0x2FFFF;
	_ =	strace $0x9FFFFFFF  }
0x39: {  	(tm) =	ssettm $0x7FFFFFFF  }
tec
execute0_lowered:
.L_overlay_start_1:
0x0: {  	(tag) =	ssettag $0x1  }
0x1: {  	s0 =	srdreg.scid;
	s3 =	rddreg [dreg:$0x0];
	s5 =	simm.s32 $0x1  }
0x2: {  	s7 =	simm.s32 $0x2;
	s15 =	simm.s32 $0x0;
	p0 =	por $0x0, $0x0  }
0x3: {  	s8 =	simm.s32 $0x1000;
	s13 =	simm.s32 $0x0;
	s1 =	sshll.u32 s0, $0x7  }
0x4: {  	s14 =	simm.s32 $0x0;
	s9 =	simm.s32 $0x0;
	s1 =	sand.u32 $0x80, s1  }
0x5: {  	s0 =	rddreg [dreg:$0x1];
	_ =	strace $0x80000047;
	s6 =	ssub.s32 $0x200, s1  }
.Ltmp0:
0x6: {  	s2 =	sadd.s32 $0x43400, s3;
	s31 =	sshrl.u32 s6, $0x7;
	(pc) =	sbr.rel .LBB1_1-.Ltmp0, $4  }
0x7: {  	s4 =	sadd.s32 $0x143400, s3;
	s6 =	sshrl.u32 s6, $0x8;
	s3 =	sand.u32 $0x1, s31  }
0x8: {  	s11 =	stileid.u32;
	[sflag:s5] =	ssyncpa.u1 $0x0;
	s6 =	sadd.s32 s6, s3  }
0x9: {  	s12 =	simm.s32 $0x0;
	[sflag:s7] =	ssyncpa.u1 $0x0;
	s6 =	sshll.u32 s6, $0x3  }
0xa: {  	s10 =	smov.u32 s1;
	s3 =	stileid.u32;
	s7 =	sor.u32 $0x1, s6  }
.LBB1_4:
0xb: {  	v5 =	vld [tilespmem:s18+$0xFFFFFFD0];
	[tilespmem:s19+$0x2040 ss:$0x81] =	vst.msk $0xffff, v1  }
0xc: {  	v58 =	vld [tilespmem:s18+$0xFFFFFFE0];
	[tilespmem:s19+$0x2850 ss:$0x81] =	vst.msk $0xffff, v2  }
0xd: {  	s20 =	sshra.s32 s20, $0x2;
	v59 =	vld [tilespmem:s18+$0xFFFFFFF0];
	[tilespmem:s19+$0x3060 ss:$0x81] =	vst.msk $0xffff, v3  }
0xe: {  	v60 =	vld [tilespmem:s18+$0x0];
	[tilespmem:s19+$0x0 ss:$0x81] =	vst.msk $0xffff, v0;
	s17 =	sadd.s32 s20, s17  }
0xf: {  	v61 =	vld [tilespmem:s18+$0x10];
	s25 =	sshll.u32 s15, $0x9;
	[tilespmem:s17+$0x3870 ss:$0x81] =	vst.msk $0xffff, v4  }
0x10: {  	s26 =	sshll.u32 s13, $0x3;
	v62 =	vld [tilespmem:s18+$0x20];
	s27 =	sshll.u32 s15, $0x7;
	s30 =	sand.u32 $0x78, s13;
	[tilespmem:s17+$0x810 ss:$0x81] =	vst.msk $0xffff, v5  }
0x11: {  	v63 =	vld [tilespmem:s18+$0xFFFFFFC0];
	s14 =	sshll.u32 s14, $0x10;
	s19 =	sand.u32 $0x7F000, s25;
	s20 =	sand.u32 $0x7FC00, s26;
	[tilespmem:s17+$0x1020 ss:$0x81] =	vst.msk $0xffff, v58  }
0x12: {  	s29 =	sand.u32 $0x200, s27;
	s15 =	sand.u32 $0x180, s27;
	s28 =	sadd.s32 s20, s19;
	[tilespmem:s17+$0x1830 ss:$0x81] =	vst.msk $0xffff, v59  }
0x13: {  	s31 =	sand.u32 $0x7, s13;
	s15 =	sor.u32 s30, s15;
	s18 =	sor.u32 s29, s28;
	[tilespmem:s17+$0x2040 ss:$0x81] =	vst.msk $0xffff, v60  }
0x14: {  	s14 =	sadd.s32 s4, s14;
	s15 =	sshrl.u32 s15, $0x3;
	s18 =	sshrl.u32 s18, $0x3;
	[tilespmem:s17+$0x2850 ss:$0x81] =	vst.msk $0xffff, v61  }
0x15: {  	s13 =	sshll.u32 s31, $0x12;
	s14 =	sadd.s32 s15, s14;
	[tilespmem:s17+$0x3060 ss:$0x81] =	vst.msk $0xffff, v62;
	s18 =	sand.u32 $0xFFC0, s18  }
0x16: {  	s13 =	sor.u32 $0x400, s13;
	[tilespmem:s17+$0x0 ss:$0x81] =	vst.msk $0xffff, v63;
	s14 =	sadd.s32 s18, s14  }
0x17: {  	[hbm4b:s14+s13] =	stream.strided.scatter [tilespmem:s16], [sflag:$0x2], $0x4000, s8, s13, $0x20;
	[tilespmem:$0x10100] =	vst v63  }
.LBB1_5:
0x18: {  	s16 =	sadd.s32 $0x80, s9  }
0x19: {  	s13 =	sadd.s32 $0x100, s10;
	s17 =	smov.u32 s10;
	p2 =	sgt.s32 s16, $0x3FF  }
0x1a: {  	s17 =	smov.u32 @p2 s13  }
0x1b: {  	s19 =	smov.u32 s11;
	s13 =	sadd.s32 $0x10, s11;
	p3 =	sgt.s32 s17, $0x1FF  }
0x1c: {  	s19 =	smov.u32 @p3 s13  }
0x1d: {  	s16 =	simm.s32 @p2 $0x0;
	p2 =	sgt.s32 s19, $0xF  }
0x1e: {  	p1 =	slt.u32 s12, $0x2;
	s19 =	smov.u32 @p2 s3;
	p2 =	sne.s32 s12, s7  }
.Ltmp1:
0x1f: {  	s18 =	simm.s32 @!p1 $0x2;
	(pc) =	sbr.rel @!p2 .LBB1_6-.Ltmp1, $4  }
0x20: {  	s15 =	smov.u32 s9;
	s14 =	smov.u32 s11;
	_ =	swait.ge @!p1 [sflag:s18], $0x4000  }
0x21: {  	p0 =	por !p0, !p0;
	[sflag:s18] =	ssyncset.done @!p1 $0x0;
	s9 =	smov.u32 s16  }
0x22: {  	s17 =	smov.u32 @p3 s1;
	s13 =	smov.u32 s10;
	[sflag:s18] =	ssyncadd.s32 @!p1 $0xFFFFC000  }
0x23: {  	s10 =	smov.u32 s17;
	s12 =	sadd.s32 $0x1, s12;
	s11 =	smov.u32 s19  }
.LBB1_1:
0x24: {  	p1 =	sge.u32 s12, s6  }
0x25: {  	s31 =	sadd.s32 $0xFFFFFFFF, s12;
	s16 =	sshll.u32 @!p1 s10, $0x7  }
0x26: {  	s17 =	sxor.u32 @!p1 $0xFFFFFFFF, s12;
	s18 =	sand.u32 @!p1 $0x78, s9;
	s19 =	sand.u32 @!p1 $0x380, s16  }
0x27: {  	s17 =	sshll.u32 @!p1 s17, $0xE;
	s18 =	sor.u32 @!p1 s18, s19;
	s19 =	sshll.u32 @!p1 s11, $0x10  }
0x28: {  	s16 =	sand.u32 @!p1 $0xFC00, s16;
	s18 =	sshrl.u32 @!p1 s18, $0x3;
	s19 =	sadd.s32 @!p1 s2, s19  }
0x29: {  	s16 =	sadd.s32 @!p1 s9, s16;
	s18 =	sadd.s32 @!p1 s18, s19;
	s19 =	sand.u32 @!p1 $0x7, s9  }
0x2a: {  	s17 =	sand.u32 @!p1 $0x4000, s17;
	s16 =	sand.u32 @!p1 $0xFF80, s16;
	s19 =	sshll.u32 @!p1 s19, $0x12  }
0x2b: {  	s16 =	sadd.s32 @!p1 s16, s18;
	s18 =	sor.u32 @!p1 $0x400, s19;
	s19 =	simm.s32 @!p1 $0x2000  }
0x2c: {  	[tilespmem:s17], [sflag:$0x1] =	stream.strided.gather @!p1 [hbm4b:s16+s18], $0x4000, s19, s18, $0x38;
	[tilespmem:$0x10100] =	vst v63  }
0x2d: {  	p1 =	sge.u32 s31, s6  }
.Ltmp2:
0x2e: {  	_ = 	snop;
	(pc) =	sbr.rel @p1 .LBB1_5-.Ltmp2, $1  }
0x2f: {  	_ =	sdelay $0x3  }
0x30: {  	s16 =	simm.s32 $0x1  }
0x31: {  	_ =	swait.ge [sflag:s5], $0x4000;
	s16 =	simm.s32 @!p0 $0x0  }
0x32: {  	[sflag:s5] =	ssyncset.done $0x0;
	s17 =	sshll.u32 s16, $0xE  }
0x33: {  	[sflag:s5] =	ssyncadd.s32 $0xFFFFC000;
	s18 =	sor.u32 $0x40, s17  }
0x34: {  	s16 =	smul.u32 $0x10200, s16;
	v0 =	vld [tilespmem:s18+$0x30]  }
0x35: {  	v3 =	vld [tilespmem:s18+$0xFFFFFFD0]  }
0x36: {  	s16 =	sshrl.u32 s16, $0x2;
	v4 =	vld [tilespmem:s18+$0xFFFFFFE0]  }
0x37: {  	v5 =	vld [tilespmem:s18+$0xFFFFFFF0];
	s17 =	sor.u32 $0x8000, s16  }
0x38: {  	s31 =	sand.u32 $0x1, s12;
	v1 =	vld [tilespmem:s18+$0x0];
	s19 =	sadd.s32 $0x0, s17  }
0x39: {  	v2 =	vld [tilespmem:s18+$0x10];
	s16 =	smul.u32 $0x10200, s31;
	[tilespmem:s19+$0x3870 ss:$0x81] =	vst.msk $0xffff, v0  }
0x3a: {  	[tilespmem:s19+$0x810 ss:$0x81] =	vst.msk $0xffff, v3;
	v3 =	vld [tilespmem:s18+$0x20]  }
0x3b: {  	s16 =	sshrl.u32 s16, $0x2;
	v0 =	vld [tilespmem:s18+$0xFFFFFFC0];
	[tilespmem:s19+$0x1020 ss:$0x81] =	vst.msk $0xffff, v4;
	s18 =	sadd.s32 $0x80, s18  }
0x3c: {  	s20 =	simm.s32 $0x4;
	s21 =	simm.s32 $0x8;
	s16 =	sor.u32 $0x8000, s16;
	[tilespmem:s19+$0x1830 ss:$0x81] =	vst.msk $0xffff, v5;
	v4 =	vld [tilespmem:s18+$0x30]  }
.LBB1_3:
0x3d: {  	p1 =	sne.s32 s21, $0x1FC;
	v5 =	vld [tilespmem:s18+$0xFFFFFFD0];
	[tilespmem:s19+$0x2040 ss:$0x81] =	vst.msk $0xffff, v1  }
0x3e: {  	v6 =	vld [tilespmem:s18+$0xFFFFFFE0];
	[tilespmem:s19+$0x2850 ss:$0x81] =	vst.msk $0xffff, v2  }
0x3f: {  	s22 =	sshra.s32 s20, $0x2;
	s20 =	smov.u32 s21;
	v7 =	vld [tilespmem:s18+$0xFFFFFFF0];
	[tilespmem:s19+$0x3060 ss:$0x81] =	vst.msk $0xffff, v3  }
.Ltmp3:
0x40: {  	v1 =	vld [tilespmem:s18+$0x0];
	[tilespmem:s19+$0x0 ss:$0x81] =	vst.msk $0xffff, v0;
	s19 =	sadd.s32 s22, s17;
	(pc) =	sbr.rel @p1 .LBB1_3-.Ltmp3, $4  }
0x41: {  	v2 =	vld [tilespmem:s18+$0x10];
	[tilespmem:s19+$0x3870 ss:$0x81] =	vst.msk $0xffff, v4  }
0x42: {  	[tilespmem:s19+$0x810 ss:$0x81] =	vst.msk $0xffff, v5;
	v3 =	vld [tilespmem:s18+$0x20]  }
0x43: {  	v0 =	vld [tilespmem:s18+$0xFFFFFFC0];
	[tilespmem:s19+$0x1020 ss:$0x81] =	vst.msk $0xffff, v6;
	s18 =	sadd.s32 $0x80, s18  }
0x44: {  	s21 =	sadd.s32 $0x4, s21;
	v4 =	vld [tilespmem:s18+$0x30];
	[tilespmem:s19+$0x1830 ss:$0x81] =	vst.msk $0xffff, v7  }
.Ltmp4:
0x45: {  	_ = 	snop;
	(pc) =	sbr.rel .LBB1_4-.Ltmp4, $1  }
0x46: {  	_ =	sdelay $0x3  }
.LBB1_6:
0x47: {  	_ =	sfence.sel $0x180000  }
0x48: {  	s1 =	simm.s32 $0x1;
	[bflag:$0x0] =	sbarrier.arrive $0xFFFF  }
0x49: {  	s31 =	simm.s32 $0x2;
	[sflag:s1] =	ssyncpa.u1 $0x1  }
0x4a: {  	[sflag:s31] =	ssyncpa.u1 $0x1  }
0x4b: {  	p0 =	sne.s32 s3, $0x0;
	_ =	strace $0x90000047  }
0x4c: {  	s0 =	sadd.s32 @!p0 $0x100000, s0;
	[bflag:$0x2] =	sbarrier.arrive $0xFFFF  }
0x4d: {  	[sflag:s0] =	ssyncadd.tile.s32 @!p0 $0x1;
	_ =	shalt  }
.Lfunc_end1:
_tile_overlayer_lowered:
.L_overlay_start_2:
0x4e: {  	(tag) =	ssettag $0x2  }
0x4f: {  	s0 =	rddreg [dreg:$0x0];
	s2 =	stileid.u32  }
0x50: {  	s1 =	rddreg [dreg:$0x1];
	p0 =	sne.s32 s2, $0x0  }
0x51: {  	s3 =	rddreg [dreg:$0x2];
	[bflag:$0x3] =	sbarrier.arrive $0xFFFF;
	s2 =	simm.s32 @!p0 $0x1C01  }
0x52: {  	[timem:s3], [sflag:s2] =	dma.local @!p0 [hbm:s0], s1  }
0x53: {  	s0 =	simm.s32 @!p0 $0x1  }
0x54: {  	_ =	swait.ge @!p0 [sflag:s0], s1  }
0x55: {  	s1 =	ssub.s32 @!p0 $0x0, s1;
	[sflag:s0] =	ssyncset.done @!p0 $0x0  }
0x56: {  	[sflag:s0] =	ssyncadd.s32 @!p0 s1  }
0x57: {  	[bflag:$0x3] =	sbarrier.arrive $0xFFFF  }
0x58: {  	_ =	shalt  }

// kernel: sparse-core-data-format-call.3.cloned.1.call-start
scs
called_computation.3_lowered:
.L_overlay_start_0:
0x0: {  	s2 =	sld [smem:$0x3FD9]  }
0x1: {  	s3 =	sld [smem:$0x3FFE];
	_ =	sdelay $0x1  }
0x2: {  	s1 =	srdreg.scid  }
0x3: {  	s0 =	sand.u32 $0x1, s1  }
0x4: {  	s18 =	sshll.u32 s0, $0xA;
	s2 =	sadd.s32 s3, s2  }
0x5: {  	s2 =	sadd.s32 s2, s18  }
0x6: {  	[smem:$0x3FA9] =	sst s2  }
0x7: {  	_ = 	snop  }
0x8: {  	(tm) =	ssettm $0x1  }
0x9: {  	s19 =	sld [smem:$0x3FFB];
	_ =	sdelay $0x3  }
0xa: {  	_ =	strace s19  }
0xb: {  	s2 =	sld [smem:$0x3FFC];
	_ =	sdelay $0x3  }
0xc: {  	_ =	strace s2  }
0xd: {  	s2 =	sld [smem:$0x3FFD];
	_ =	sdelay $0x3  }
0xe: {  	_ =	strace s2  }
0xf: {  	_ =	strace $0x8FFFFFFF  }
0x10: {  	s20 =	sld [smem:$0x3FDB];
	_ =	sdelay $0x1  }
0x11: {  	s21 =	simm.s32 $_scs_section_size  }
0x12: {  	s4 =	simm.s32 $_size__tile_overlayer_lowered;
	s5 =	simm.s32 $_tile_overlayer_lowered  }
0x13: {  	s6 =	simm.s32 $0x1BFF;
	s22 =	sshll.u32 s5, $0x1;
	s3 =	sadd.s32 s21, s20  }
0x14: {  	s23 =	simm.s32 $0x0;
	s4 =	sshll.u32 s4, $0x1;
	s5 =	sadd.s32 s22, s3  }
0x15: {  	[timem:s23], [sflag:s6] =	dma.local [hbm:s5], s4  }
0x16: {  	_ =	swait.ge [sflag:s6], s4  }
0x17: {  	s4 =	ssub.s32 $0x0, s4;
	[sflag:s6] =	ssyncset.done $0x0  }
0x18: {  	[sflag:s6] =	ssyncadd.s32 s4;
	_ =	sdelay $0x1  }
0x19: {  	s24 =	simm.s32 $0x1B8B  }
0x1a: {  	_ =	swait.ge [sflag:s24], $0x1  }
0x1b: {  	[sflag:s24] =	ssyncset.done $0x0  }
0x1c: {  	[sflag:s24] =	ssyncadd.s32 $0xFFFFFFFF  }
0x1d: {  	s4 =	sld [smem:$0x0]  }
0x1e: {  	s5 =	sand.u32 $0xFFFFFFFE, s1  }
0x1f: {  	p0 =	sne.s32 s1, s5  }
0x20: {  	s5 =	sshll.u32 @p0 s5, $0xE  }
0x21: {  	s5 =	sadd.s32 @p0 $0x11B8D, s5;
	s6 =	sshll.u32 @p0 s4, $0x11  }
0x22: {  	s5 =	sor.u32 @p0 s6, s5  }
0x23: {  	[sflag:s5] =	ssyncadd.remote.s32 @p0 $0x1;
	_ =	sdelay $0x1  }
0x24: {  	s5 =	simm.s32 @p0 $0x1B8D  }
0x25: {  	_ =	swait.eq @p0 [sflag:s5], $0x1  }
0x26: {  	[sflag:s5] =	ssyncadd.s32 @p0 $0xFFFFFFFF  }
0x27: {  	s6 =	sshll.u32 @!p0 s1, $0xE  }
0x28: {  	s6 =	sor.u32 @!p0 $0x4000, s6;
	s5 =	simm.s32 @!p0 $0x1B8D  }
0x29: {  	s4 =	sshll.u32 @!p0 s4, $0x11;
	s6 =	sadd.s32 @!p0 $0x11B8D, s6;
	_ =	swait.eq @!p0 [sflag:s5], $0x1  }
0x2a: {  	s4 =	sor.u32 @!p0 s4, s6;
	[sflag:s5] =	ssyncadd.s32 @!p0 $0xFFFFFFFF  }
0x2b: {  	s26 =	simm.s32 $0x1B8E;
	s25 =	sld [smem:$0x3FFE];
	[sflag:s4] =	ssyncadd.remote.s32 @!p0 $0x1  }
0x2c: {  	s27 =	simm.s32 $execute0_lowered;
	[smem:$0x3FD2] =	sst s26  }
0x2d: {  	s5 =	sshll.u32 s27, $0x1;
	_ =	strace $0x80000049;
	[dreg:$0x1] =	wrdreg $0xFFFFFFFF  }
0x2e: {  	s28 =	simm.s32 $_size_execute0_lowered;
	s3 =	sadd.s32 s3, s5;
	[dreg:$0x0] =	wrdreg $0x0  }
0x2f: {  	s5 =	sshll.u32 s28, $0x1;
	[dreg:$0x2] =	wrdreg s3  }
0x30: {  	[dreg:$0x3] =	wrdreg s5  }
0x31: {  	[dreg:$0x4] =	wrdreg $0xC0  }
0x32: {  	_ =	task [dreg:s23], $0x5FFFF  }
0x33: {  	[dreg:$0x1] =	wrdreg $0xFFFFFFFF  }
0x34: {  	[dreg:$0x0] =	wrdreg $0x60  }
0x35: {  	[dreg:$0x2] =	wrdreg s25  }
0x36: {  	[dreg:$0x3] =	wrdreg $0xA  }
0x37: {  	_ =	task.clear_ibuf [dreg:s23], $0x4FFFF;
	_ =	strace $0x90000049  }
0x38: {  	s29 =	simm.s32 $0xA;
	_ =	strace $0x8000004B  }
0x39: {  	_ =	swait.ge [sflag:s29], $0x1  }
0x3a: {  	[sflag:s29] =	ssyncadd.s32 $0xFFFFFFFF  }
0x3b: {  	_ =	strace $0x9000004B  }
0x3c: {  	_ =	sfence  }
0x3d: {  	s30 =	sld [smem:$0x0];
	_ =	sdelay $0x2  }
0x3e: {  	s31 =	sshll.u32 s1, $0xD;
	s1 =	sshrl.u32 s1, $0x2  }
0x3f: {  	s4 =	sand.u32 $0x4000, s31;
	s1 =	sadd.s32 s1, s30  }
0x40: {  	s0 =	sor.u32 s4, s0;
	s1 =	sshll.u32 s1, $0x11  }
0x41: {  	s0 =	sor.u32 s1, s0  }
0x42: {  	s0 =	sadd.s32 $0x8F2B, s0  }
0x43: {  	[sflag:s0] =	ssyncadd.remote.s32 $0x1  }
0x44: {  	_ =	sfence.sel $0xFFFF  }
0x45: {  	[dreg:$0x0] =	wrdreg $0xFFFFFFFF;
	(pc) =	sbr.abs _section_cstart, $3  }
0x46: {  	[dreg:$0x1] =	wrdreg $0xFFFFFFFF  }
0x47: {  	_ =	task.clear_ibuf [dreg:s23], $0x2FFFF;
	_ =	strace $0x9FFFFFFF  }
0x48: {  	(tm) =	ssettm $0x7FFFFFFF  }
0x49: {  	_ =	shalt  }
tec
execute0_lowered:
.L_overlay_start_1:
0x0: {  	(tag) =	ssettag $0x1  }
0x1: {  	s0 =	srdreg.scid;
	s3 =	rddreg [dreg:$0x0];
	s5 =	simm.s32 $0x1  }
0x2: {  	s7 =	simm.s32 $0x2;
	s15 =	simm.s32 $0x0;
	p0 =	por $0x0, $0x0  }
0x3: {  	s8 =	simm.s32 $0x2000;
	s13 =	simm.s32 $0x0;
	s1 =	sshll.u32 s0, $0x7  }
0x4: {  	s14 =	simm.s32 $0x0;
	s9 =	simm.s32 $0x0;
	s1 =	sand.u32 $0x80, s1  }
0x5: {  	s0 =	rddreg [dreg:$0x1];
	_ =	strace $0x8000004A;
	s6 =	ssub.s32 $0x400, s1  }
.Ltmp0:
0x6: {  	s2 =	sadd.s32 $0x343400, s3;
	s31 =	sshrl.u32 s6, $0x7;
	(pc) =	sbr.rel .LBB1_1-.Ltmp0, $4  }
0x7: {  	s4 =	sadd.s32 $0xB43400, s3;
	s6 =	sshrl.u32 s6, $0x8;
	s3 =	sand.u32 $0x1, s31  }
0x8: {  	s11 =	stileid.u32;
	[sflag:s5] =	ssyncpa.u1 $0x0;
	s6 =	sadd.s32 s6, s3  }
0x9: {  	s12 =	simm.s32 $0x0;
	[sflag:s7] =	ssyncpa.u1 $0x0;
	s6 =	sshll.u32 s6, $0x5  }
0xa: {  	s10 =	smov.u32 s1;
	s3 =	stileid.u32;
	s7 =	sor.u32 $0x1, s6  }
.LBB1_4:
0xb: {  	v5 =	vld [tilespmem:s19+$0xFFFFFFD0];
	[tilespmem:s18+$0x2040 ss:$0x81] =	vst.msk $0xffff, v1  }
0xc: {  	v58 =	vld [tilespmem:s19+$0xFFFFFFE0];
	[tilespmem:s18+$0x2850 ss:$0x81] =	vst.msk $0xffff, v2  }
0xd: {  	s20 =	sshra.s32 s20, $0x2;
	v59 =	vld [tilespmem:s19+$0xFFFFFFF0];
	[tilespmem:s18+$0x3060 ss:$0x81] =	vst.msk $0xffff, v3  }
0xe: {  	v60 =	vld [tilespmem:s19+$0x0];
	[tilespmem:s18+$0x0 ss:$0x81] =	vst.msk $0xffff, v0;
	s17 =	sadd.s32 s20, s17  }
0xf: {  	v61 =	vld [tilespmem:s19+$0x10];
	[tilespmem:s17+$0x3870 ss:$0x81] =	vst.msk $0xffff, v4  }
0x10: {  	v62 =	vld [tilespmem:s19+$0x20];
	s26 =	sshll.u32 s15, $0xA;
	s27 =	sshll.u32 s13, $0x3;
	[tilespmem:s17+$0x810 ss:$0x81] =	vst.msk $0xffff, v5  }
0x11: {  	v63 =	vld [tilespmem:s19+$0xFFFFFFC0];
	s29 =	sshll.u32 s15, $0x7;
	s30 =	sand.u32 $0x78, s13;
	s14 =	sshll.u32 s14, $0x13;
	[tilespmem:s17+$0x1020 ss:$0x81] =	vst.msk $0xffff, v58  }
0x12: {  	s18 =	sand.u32 $0x3FE000, s26;
	s28 =	sand.u32 $0x3FFC00, s27;
	s15 =	sand.u32 $0x380, s29;
	[tilespmem:s17+$0x1830 ss:$0x81] =	vst.msk $0xffff, v59  }
0x13: {  	s31 =	sand.u32 $0x7, s13;
	s18 =	sadd.s32 s28, s18;
	s15 =	sor.u32 s30, s15;
	[tilespmem:s17+$0x2040 ss:$0x81] =	vst.msk $0xffff, v60  }
0x14: {  	s14 =	sadd.s32 s4, s14;
	s18 =	sshrl.u32 s18, $0x3;
	s15 =	sshrl.u32 s15, $0x3;
	[tilespmem:s17+$0x2850 ss:$0x81] =	vst.msk $0xffff, v61  }
0x15: {  	s13 =	sshll.u32 s31, $0x12;
	s18 =	sand.u32 $0x7FF80, s18;
	s14 =	sadd.s32 s15, s14;
	[tilespmem:s17+$0x3060 ss:$0x81] =	vst.msk $0xffff, v62  }
0x16: {  	s13 =	sor.u32 $0x400, s13;
	[tilespmem:s17+$0x0 ss:$0x81] =	vst.msk $0xffff, v63;
	s14 =	sadd.s32 s18, s14  }
0x17: {  	[hbm4b:s14+s13] =	stream.strided.scatter [tilespmem:s16], [sflag:$0x2], $0x4000, s8, s13, $0x20;
	[tilespmem:$0x10100] =	vst v63  }
.LBB1_5:
0x18: {  	s16 =	sadd.s32 $0x80, s9  }
0x19: {  	s13 =	sadd.s32 $0x100, s10;
	s17 =	smov.u32 s10;
	p2 =	sgt.s32 s16, $0xFFF  }
0x1a: {  	s17 =	smov.u32 @p2 s13  }
0x1b: {  	s19 =	smov.u32 s11;
	s13 =	sadd.s32 $0x10, s11;
	p3 =	sgt.s32 s17, $0x3FF  }
0x1c: {  	s19 =	smov.u32 @p3 s13  }
0x1d: {  	s16 =	simm.s32 @p2 $0x0;
	p2 =	sgt.s32 s19, $0xF  }
0x1e: {  	p1 =	slt.u32 s12, $0x2;
	s19 =	smov.u32 @p2 s3;
	p2 =	sne.s32 s12, s7  }
.Ltmp1:
0x1f: {  	s18 =	simm.s32 @!p1 $0x2;
	(pc) =	sbr.rel @!p2 .LBB1_6-.Ltmp1, $4  }
0x20: {  	s15 =	smov.u32 s9;
	s14 =	smov.u32 s11;
	_ =	swait.ge @!p1 [sflag:s18], $0x4000  }
0x21: {  	p0 =	por !p0, !p0;
	[sflag:s18] =	ssyncset.done @!p1 $0x0;
	s9 =	smov.u32 s16  }
0x22: {  	s17 =	smov.u32 @p3 s1;
	s13 =	smov.u32 s10;
	[sflag:s18] =	ssyncadd.s32 @!p1 $0xFFFFC000  }
0x23: {  	s10 =	smov.u32 s17;
	s12 =	sadd.s32 $0x1, s12;
	s11 =	smov.u32 s19  }
.LBB1_1:
0x24: {  	p1 =	sge.u32 s12, s6;
	s31 =	sadd.s32 $0xFFFFFFFF, s12  }
0x25: {  	s16 =	sxor.u32 @!p1 $0xFFFFFFFF, s12;
	s17 =	sand.u32 @!p1 $0x78, s9;
	s18 =	sshll.u32 @!p1 s10, $0xC  }
0x26: {  	s19 =	sshll.u32 @!p1 s10, $0x7;
	s20 =	sshll.u32 @!p1 s9, $0x3;
	s16 =	sshll.u32 @!p1 s16, $0xE  }
0x27: {  	s18 =	sand.u32 @!p1 $0x3F8000, s18;
	s19 =	sand.u32 @!p1 $0x380, s19;
	s16 =	sand.u32 @!p1 $0x4000, s16  }
0x28: {  	s18 =	sadd.s32 @!p1 s18, s20;
	s20 =	sand.u32 @!p1 $0xC00, s20;
	s17 =	sor.u32 @!p1 s19, s17  }
0x29: {  	s19 =	sshll.u32 @!p1 s11, $0x13;
	s17 =	sor.u32 @!p1 s20, s17;
	s18 =	sshrl.u32 @!p1 s18, $0x3  }
0x2a: {  	s19 =	sadd.s32 @!p1 s2, s19;
	s20 =	sand.u32 @!p1 $0x7, s9;
	s18 =	sand.u32 @!p1 $0x7FE00, s18  }
0x2b: {  	s17 =	sshrl.u32 @!p1 s17, $0x3;
	s18 =	sadd.s32 @!p1 s18, s19;
	s19 =	sshll.u32 @!p1 s20, $0x12  }
0x2c: {  	s17 =	sadd.s32 @!p1 s17, s18;
	s18 =	sor.u32 @!p1 $0x400, s19;
	s19 =	simm.s32 @!p1 $0x8000  }
0x2d: {  	[tilespmem:s16], [sflag:$0x1] =	stream.strided.gather @!p1 [hbm4b:s17+s18], $0x4000, s19, s18, $0x38;
	[tilespmem:$0x10100] =	vst v63  }
0x2e: {  	p1 =	sge.u32 s31, s6  }
.Ltmp2:
0x2f: {  	_ = 	snop;
	(pc) =	sbr.rel @p1 .LBB1_5-.Ltmp2, $1  }
0x30: {  	_ =	sdelay $0x3  }
0x31: {  	s16 =	simm.s32 $0x1  }
0x32: {  	_ =	swait.ge [sflag:s5], $0x4000;
	s16 =	simm.s32 @!p0 $0x0  }
0x33: {  	[sflag:s5] =	ssyncset.done $0x0;
	s17 =	sshll.u32 s16, $0xE  }
0x34: {  	[sflag:s5] =	ssyncadd.s32 $0xFFFFC000;
	s19 =	sor.u32 $0x40, s17  }
0x35: {  	s16 =	smul.u32 $0x10200, s16;
	v0 =	vld [tilespmem:s19+$0x30]  }
0x36: {  	v3 =	vld [tilespmem:s19+$0xFFFFFFD0]  }
0x37: {  	s16 =	sshrl.u32 s16, $0x2;
	v4 =	vld [tilespmem:s19+$0xFFFFFFE0]  }
0x38: {  	v5 =	vld [tilespmem:s19+$0xFFFFFFF0];
	s17 =	sor.u32 $0x8000, s16  }
0x39: {  	s31 =	sand.u32 $0x1, s12;
	v1 =	vld [tilespmem:s19+$0x0];
	s18 =	sadd.s32 $0x0, s17  }
0x3a: {  	v2 =	vld [tilespmem:s19+$0x10];
	s16 =	smul.u32 $0x10200, s31;
	[tilespmem:s18+$0x3870 ss:$0x81] =	vst.msk $0xffff, v0  }
0x3b: {  	[tilespmem:s18+$0x810 ss:$0x81] =	vst.msk $0xffff, v3;
	v3 =	vld [tilespmem:s19+$0x20]  }
0x3c: {  	s16 =	sshrl.u32 s16, $0x2;
	v0 =	vld [tilespmem:s19+$0xFFFFFFC0];
	[tilespmem:s18+$0x1020 ss:$0x81] =	vst.msk $0xffff, v4;
	s19 =	sadd.s32 $0x80, s19  }
0x3d: {  	s20 =	simm.s32 $0x4;
	s21 =	simm.s32 $0x8;
	s16 =	sor.u32 $0x8000, s16;
	[tilespmem:s18+$0x1830 ss:$0x81] =	vst.msk $0xffff, v5;
	v4 =	vld [tilespmem:s19+$0x30]  }
.LBB1_3:
0x3e: {  	p1 =	sne.s32 s21, $0x1FC;
	v5 =	vld [tilespmem:s19+$0xFFFFFFD0];
	[tilespmem:s18+$0x2040 ss:$0x81] =	vst.msk $0xffff, v1  }
0x3f: {  	v6 =	vld [tilespmem:s19+$0xFFFFFFE0];
	[tilespmem:s18+$0x2850 ss:$0x81] =	vst.msk $0xffff, v2  }
0x40: {  	s22 =	sshra.s32 s20, $0x2;
	s20 =	smov.u32 s21;
	v7 =	vld [tilespmem:s19+$0xFFFFFFF0];
	[tilespmem:s18+$0x3060 ss:$0x81] =	vst.msk $0xffff, v3  }
.Ltmp3:
0x41: {  	v1 =	vld [tilespmem:s19+$0x0];
	[tilespmem:s18+$0x0 ss:$0x81] =	vst.msk $0xffff, v0;
	s18 =	sadd.s32 s22, s17;
	(pc) =	sbr.rel @p1 .LBB1_3-.Ltmp3, $4  }
0x42: {  	v2 =	vld [tilespmem:s19+$0x10];
	[tilespmem:s18+$0x3870 ss:$0x81] =	vst.msk $0xffff, v4  }
0x43: {  	[tilespmem:s18+$0x810 ss:$0x81] =	vst.msk $0xffff, v5;
	v3 =	vld [tilespmem:s19+$0x20]  }
0x44: {  	v0 =	vld [tilespmem:s19+$0xFFFFFFC0];
	[tilespmem:s18+$0x1020 ss:$0x81] =	vst.msk $0xffff, v6;
	s19 =	sadd.s32 $0x80, s19  }
0x45: {  	s21 =	sadd.s32 $0x4, s21;
	v4 =	vld [tilespmem:s19+$0x30];
	[tilespmem:s18+$0x1830 ss:$0x81] =	vst.msk $0xffff, v7  }
.Ltmp4:
0x46: {  	_ = 	snop;
	(pc) =	sbr.rel .LBB1_4-.Ltmp4, $1  }
0x47: {  	_ =	sdelay $0x3  }
.LBB1_6:
0x48: {  	_ =	sfence.sel $0x180000  }
0x49: {  	s1 =	simm.s32 $0x1;
	[bflag:$0x0] =	sbarrier.arrive $0xFFFF  }
0x4a: {  	s31 =	simm.s32 $0x2;
	[sflag:s1] =	ssyncpa.u1 $0x1  }
0x4b: {  	[sflag:s31] =	ssyncpa.u1 $0x1  }
0x4c: {  	p0 =	sne.s32 s3, $0x0;
	_ =	strace $0x9000004A  }
0x4d: {  	s0 =	sadd.s32 @!p0 $0x100000, s0;
	[bflag:$0x2] =	sbarrier.arrive $0xFFFF  }
0x4e: {  	[sflag:s0] =	ssyncadd.tile.s32 @!p0 $0x1;
	_ =	shalt  }
.Lfunc_end1:
_tile_overlayer_lowered:
.L_overlay_start_2:
0x4f: {  	(tag) =	ssettag $0x2  }
0x50: {  	s0 =	rddreg [dreg:$0x0];
	s2 =	stileid.u32  }
0x51: {  	s1 =	rddreg [dreg:$0x1];
	p0 =	sne.s32 s2, $0x0  }
0x52: {  	s3 =	rddreg [dreg:$0x2];
	[bflag:$0x3] =	sbarrier.arrive $0xFFFF;
	s2 =	simm.s32 @!p0 $0x1C01  }
0x53: {  	[timem:s3], [sflag:s2] =	dma.local @!p0 [hbm:s0], s1  }
0x54: {  	s0 =	simm.s32 @!p0 $0x1  }
0x55: {  	_ =	swait.ge @!p0 [sflag:s0], s1  }
0x56: {  	s1 =	ssub.s32 @!p0 $0x0, s1;
	[sflag:s0] =	ssyncset.done @!p0 $0x0  }
0x57: {  	[sflag:s0] =	ssyncadd.s32 @!p0 s1  }
0x58: {  	[bflag:$0x3] =	sbarrier.arrive $0xFFFF  }
0x59: {  	_ =	shalt  }

// kernel: sparse-core-data-format-call.cloned.1.call-start
scs
called_computation_lowered:
.L_overlay_start_0:
0x0: {  	s1 =	sld [smem:$0x3FD9]  }
0x1: {  	s2 =	sld [smem:$0x3FFE];
	_ =	sdelay $0x1  }
0x2: {  	s3 =	srdreg.scid  }
0x3: {  	s0 =	sand.u32 $0x1, s3  }
0x4: {  	s17 =	sshll.u32 s0, $0xA;
	s1 =	sadd.s32 s2, s1  }
0x5: {  	s1 =	sadd.s32 s1, s17  }
0x6: {  	[smem:$0x3FA9] =	sst s1  }
0x7: {  	_ = 	snop  }
0x8: {  	(tm) =	ssettm $0x1  }
0x9: {  	s18 =	sld [smem:$0x3FFB];
	_ =	sdelay $0x3  }
0xa: {  	_ =	strace s18  }
0xb: {  	s1 =	sld [smem:$0x3FFC];
	_ =	sdelay $0x3  }
0xc: {  	_ =	strace s1  }
0xd: {  	s1 =	sld [smem:$0x3FFD];
	_ =	sdelay $0x3  }
0xe: {  	_ =	strace s1  }
0xf: {  	_ =	strace $0x8FFFFFFF  }
0x10: {  	s19 =	sld [smem:$0x3FDB];
	_ =	sdelay $0x1  }
0x11: {  	s20 =	simm.s32 $_scs_section_size  }
0x12: {  	s4 =	simm.s32 $_size__tile_overlayer_lowered;
	s5 =	simm.s32 $_tile_overlayer_lowered  }
0x13: {  	s23 =	simm.s32 $0x1BFF;
	s22 =	sshll.u32 s5, $0x1;
	s1 =	sadd.s32 s20, s19  }
0x14: {  	s6 =	simm.s32 $0x0;
	s21 =	sshll.u32 s4, $0x1;
	s4 =	sadd.s32 s22, s1  }
0x15: {  	[timem:s6], [sflag:s23] =	dma.local [hbm:s4], s21  }
0x16: {  	_ =	swait.ge [sflag:s23], s21  }
0x17: {  	s2 =	ssub.s32 $0x0, s21;
	[sflag:s23] =	ssyncset.done $0x0  }
0x18: {  	[sflag:s23] =	ssyncadd.s32 s2;
	_ =	sdelay $0x1  }
0x19: {  	s24 =	simm.s32 $0x1B8B  }
0x1a: {  	_ =	swait.ge [sflag:s24], $0x1  }
0x1b: {  	[sflag:s24] =	ssyncset.done $0x0  }
0x1c: {  	s26 =	simm.s32 $0x1B8E;
	s25 =	sld [smem:$0x3FFE];
	[sflag:s24] =	ssyncadd.s32 $0xFFFFFFFF  }
0x1d: {  	s27 =	simm.s32 $execute0_lowered;
	[smem:$0x3FD2] =	sst s26  }
0x1e: {  	s4 =	sshll.u32 s27, $0x1;
	_ =	strace $0x8000004F;
	[dreg:$0x1] =	wrdreg $0xFFFFFFFF  }
0x1f: {  	s28 =	simm.s32 $_size_execute0_lowered;
	s1 =	sadd.s32 s1, s4;
	[dreg:$0x0] =	wrdreg $0x0  }
0x20: {  	s4 =	sshll.u32 s28, $0x1;
	[dreg:$0x2] =	wrdreg s1  }
0x21: {  	[dreg:$0x3] =	wrdreg s4  }
0x22: {  	[dreg:$0x4] =	wrdreg $0xC0  }
0x23: {  	_ =	task [dreg:s6], $0x5FFFF  }
0x24: {  	[dreg:$0x1] =	wrdreg $0xFFFFFFFF  }
0x25: {  	[dreg:$0x0] =	wrdreg $0x60  }
0x26: {  	[dreg:$0x2] =	wrdreg s25  }
0x27: {  	[dreg:$0x3] =	wrdreg $0x9  }
0x28: {  	_ =	task.clear_ibuf [dreg:s6], $0x4FFFF;
	_ =	strace $0x9000004F  }
0x29: {  	s29 =	simm.s32 $0x9;
	_ =	strace $0x80000051  }
0x2a: {  	_ =	swait.ge [sflag:s29], $0x1  }
0x2b: {  	[sflag:s29] =	ssyncadd.s32 $0xFFFFFFFF  }
0x2c: {  	_ =	strace $0x90000051  }
0x2d: {  	_ =	sfence  }
0x2e: {  	s30 =	sld [smem:$0x0];
	_ =	sdelay $0x2  }
0x2f: {  	s31 =	sshll.u32 s3, $0xD;
	s3 =	sshrl.u32 s3, $0x2  }
0x30: {  	s2 =	sand.u32 $0x4000, s31;
	s1 =	sadd.s32 s3, s30  }
0x31: {  	s0 =	sor.u32 s2, s0;
	s1 =	sshll.u32 s1, $0x11  }
0x32: {  	s0 =	sor.u32 s1, s0  }
0x33: {  	s0 =	sadd.s32 $0x8F2B, s0  }
0x34: {  	[sflag:s0] =	ssyncadd.remote.s32 $0x1  }
0x35: {  	_ =	sfence.sel $0xFFFF  }
0x36: {  	[dreg:$0x0] =	wrdreg $0xFFFFFFFF;
	(pc) =	sbr.abs _section_cstart, $3  }
0x37: {  	[dreg:$0x1] =	wrdreg $0xFFFFFFFF  }
0x38: {  	_ =	task.clear_ibuf [dreg:s6], $0x2FFFF;
	_ =	strace $0x9FFFFFFF  }
0x39: {  	(tm) =	ssettm $0x7FFFFFFF  }
tec
execute0_lowered:
.L_overlay_start_1:
0x0: {  	(tag) =	ssettag $0x1  }
0x1: {  	s0 =	srdreg.scid;
	s7 =	rddreg [dreg:$0x0];
	s5 =	simm.s32 $0x1  }
0x2: {  	s8 =	simm.s32 $0x2;
	s18 =	simm.s32 $0x0;
	p0 =	por $0x0, $0x0  }
0x3: {  	s9 =	simm.s32 $0x400;
	s16 =	simm.s32 $0x0;
	s15 =	simm.s32 $0x0  }
0x4: {  	s17 =	simm.s32 $0x0;
	s10 =	simm.s32 $0x0;
	s1 =	sshll.u32 s0, $0x7  }
0x5: {  	s11 =	simm.s32 $0x0;
	s13 =	stileid.u32;
	s1 =	sand.u32 $0x80, s1  }
0x6: {  	s14 =	simm.s32 $0x0;
	s0 =	rddreg [dreg:$0x1];
	s3 =	ssub.s32 $0x100, s1  }
.Ltmp0:
0x7: {  	_ =	strace $0x80000050;
	s6 =	sshrl.u32 s3, $0x7;
	(pc) =	sbr.rel .LBB1_1-.Ltmp0, $4  }
0x8: {  	s2 =	sadd.s32 $0x73400, s7;
	s3 =	sshrl.u32 s3, $0x8;
	s6 =	sand.u32 $0x1, s6  }
0x9: {  	s4 =	sadd.s32 $0x473400, s7;
	[sflag:s5] =	ssyncpa.u1 $0x0;
	s6 =	sadd.s32 s3, s6  }
0xa: {  	s7 =	sadd.s32 $0x474400, s7;
	[sflag:s8] =	ssyncpa.u1 $0x0;
	s6 =	sshll.u32 s6, $0x6  }
0xb: {  	s12 =	smov.u32 s1;
	s3 =	stileid.u32;
	s8 =	sor.u32 $0x1, s6  }
.LBB1_4:
0xc: {  	v11 =	vld [tilespmem:s23+$0xFFFFFFE0];
	v12 =	vcombine.low v6, v7  }
0xd: {  	v3 =	vperm.xlane.i2c.b16 v3;
	[tilespmem:s24+$0x3870 ss:$0x81] =	vst.msk $0xffff, v9;
	v45 =	vld [tilespmem:s23+$0xFFFFFFF0];
	v4 =	vperm.xlane.i2c.b16 v4  }
0xe: {  	v46 =	vcombine.high v6, v7;
	[tilespmem:s22+$0x2040 ss:$0x81] =	vst.msk $0xffff, v10;
	v47 =	vld [tilespmem:s23+$0x0];
	v5 =	vperm.xlane.i2c.b16 v5  }
0xf: {  	v49 =	vld [tilespmem:s23+$0x10];
	v1 =	vperm.xlane.i2c.b16 v1;
	[tilespmem:s24+$0x810 ss:$0x81] =	vst.msk $0xffff, v12;
	v48 =	vcombine.low v8, v3  }
0x10: {  	v51 =	vld [tilespmem:s23+$0xFFFFFFC0];
	v58 =	vperm.xlane.i2c.b16 v2;
	v50 =	vcombine.low v4, v0;
	[tilespmem:s24+$0x2850 ss:$0x81] =	vst.msk $0xffff, v46  }
0x11: {  	s31 =	sshra.s32 s25, $0x2;
	v3 =	vcombine.high v8, v3;
	v52 =	vcombine.low v1, v5;
	[tilespmem:s24+$0x1020 ss:$0x81] =	vst.msk $0xffff, v48  }
0x12: {  	s21 =	sadd.s32 s31, s21;
	v1 =	vcombine.high v1, v5;
	v55 =	vcombine.high v4, v0;
	[tilespmem:s24+$0x0 ss:$0x81] =	vst.msk $0xffff, v50  }
0x13: {  	[tilespmem:s21+$0x1830 ss:$0x81] =	vst.msk $0xffff, v52;
	v11 =	vperm.xlane.i2c.b16 v11;
	v53 =	vperm.xlane.i2c.b16 v45  }
0x14: {  	[tilespmem:s24+$0x3060 ss:$0x81] =	vst.msk $0xffff, v3;
	v54 =	vperm.xlane.i2c.b16 v47;
	v57 =	vperm.xlane.i2c.b16 v49  }
0x15: {  	s23 =	sshll.u32 s18, $0x8;
	s25 =	sshll.u32 s15, $0x3;
	s26 =	sshll.u32 s18, $0x7;
	[tilespmem:s21+$0x3870 ss:$0x81] =	vst.msk $0xffff, v1;
	v60 =	vperm.xlane.i2c.b16 v51;
	v56 =	vcombine.low v11, v53  }
0x16: {  	s17 =	sshll.u32 s17, $0x12;
	s16 =	sshll.u32 s16, $0xC;
	s27 =	sshrl.u32 s15, $0x3;
	[tilespmem:s24+$0x2040 ss:$0x81] =	vst.msk $0xffff, v55;
	v61 =	vcombine.low v54, v57  }
0x17: {  	s29 =	sand.u32 $0x7, s15;
	s22 =	sand.u32 $0xF800, s23;
	s23 =	sand.u32 $0xFC00, s25;
	v63 =	vcombine.low v60, v58;
	[tilespmem:s21+$0x810 ss:$0x81] =	vst.msk $0xffff, v56  }
0x18: {  	s18 =	sand.u32 $0x300, s26;
	s28 =	sadd.s32 s17, s16;
	s22 =	sadd.s32 s23, s22;
	v59 =	vcombine.high v11, v53;
	[tilespmem:s21+$0x1020 ss:$0x81] =	vst.msk $0xffff, v61  }
0x19: {  	s15 =	sshll.u32 s29, $0x12;
	s17 =	sadd.s32 s17, s7;
	s18 =	sor.u32 s18, s22;
	v62 =	vcombine.high v54, v57;
	[tilespmem:s21+$0x0 ss:$0x81] =	vst.msk $0xffff, v63  }
0x1a: {  	s23 =	sadd.s32 s4, s28;
	s22 =	sand.u32 $0xF, s27;
	s18 =	sshrl.u32 s18, $0x4;
	v0 =	vcombine.high v60, v58;
	[tilespmem:s21+$0x2850 ss:$0x81] =	vst.msk $0xffff, v59  }
0x1b: {  	s16 =	sadd.s32 s16, s17;
	s23 =	sadd.s32 s22, s23;
	s18 =	sand.u32 $0xFF0, s18;
	[tilespmem:s21+$0x3060 ss:$0x81] =	vst.msk $0xffff, v62  }
0x1c: {  	s15 =	sor.u32 $0x200, s15;
	s16 =	sadd.s32 s22, s16;
	s30 =	sadd.s32 s18, s23;
	[tilespmem:s21+$0x2040 ss:$0x81] =	vst.msk $0xffff, v0  }
0x1d: {  	[hbm4b:s30+s15] =	stream.strided.scatter [tilespmem:s20], [sflag:$0x2], $0x2000, s9, s15, $0x20;
	[tilespmem:$0x10100] =	vst v63  }
0x1e: {  	s31 =	sadd.s32 $0xA040, s19;
	s16 =	sadd.s32 s18, s16  }
0x1f: {  	[hbm4b:s16+s15] =	stream.strided.scatter [tilespmem:s31], [sflag:$0x2], $0x2000, s9, s15, $0x20;
	[tilespmem:$0x10100] =	vst v63  }
.LBB1_5:
0x20: {  	s19 =	sadd.s32 $0x80, s10  }
0x21: {  	s15 =	sadd.s32 $0x2, s11;
	s20 =	smov.u32 s11;
	p2 =	sgt.s32 s19, $0xFF  }
0x22: {  	s20 =	smov.u32 @p2 s15  }
0x23: {  	s21 =	smov.u32 s12;
	s15 =	sadd.s32 $0x100, s12;
	p3 =	sgt.s32 s20, $0x3F  }
0x24: {  	s21 =	smov.u32 @p3 s15  }
0x25: {  	s22 =	smov.u32 s13;
	s15 =	sadd.s32 $0x10, s13;
	p4 =	sgt.s32 s21, $0xFF  }
0x26: {  	p1 =	slt.u32 s14, $0x2;
	s22 =	smov.u32 @p4 s15  }
0x27: {  	s18 =	smov.u32 s10;
	s19 =	simm.s32 @p2 $0x0;
	p2 =	sgt.s32 s22, $0xF  }
0x28: {  	s23 =	simm.s32 @!p1 $0x2;
	s22 =	smov.u32 @p2 s3;
	p2 =	sne.s32 s14, s8  }
.Ltmp1:
0x29: {  	s16 =	smov.u32 s11;
	_ =	swait.ge @!p1 [sflag:s23], $0x4000;
	(pc) =	sbr.rel @!p2 .LBB1_6-.Ltmp1, $4  }
0x2a: {  	s17 =	smov.u32 s13;
	p0 =	por !p0, !p0;
	[sflag:s23] =	ssyncset.done @!p1 $0x0  }
0x2b: {  	s10 =	smov.u32 s19;
	s20 =	simm.s32 @p3 $0x0;
	[sflag:s23] =	ssyncadd.s32 @!p1 $0xFFFFC000  }
0x2c: {  	s11 =	smov.u32 s20;
	s21 =	smov.u32 @p4 s1;
	s15 =	smov.u32 s12  }
0x2d: {  	s12 =	smov.u32 s21;
	s14 =	sadd.s32 $0x1, s14;
	s13 =	smov.u32 s22  }
.LBB1_1:
0x2e: {  	p1 =	sge.u32 s14, s6  }
0x2f: {  	s19 =	sshll.u32 @!p1 s11, $0x8;
	s20 =	sshll.u32 @!p1 s10, $0x3  }
0x30: {  	s21 =	sshll.u32 @!p1 s11, $0x7;
	s19 =	sand.u32 @!p1 $0x3800, s19;
	s20 =	sand.u32 @!p1 $0x3C00, s20  }
0x31: {  	s31 =	sadd.s32 $0xFFFFFFFF, s14;
	s19 =	sadd.s32 @!p1 s19, s20;
	s20 =	sand.u32 @!p1 $0x300, s21  }
0x32: {  	s23 =	sshrl.u32 @!p1 s10, $0x3;
	s19 =	sor.u32 @!p1 s20, s19;
	s20 =	sshll.u32 @!p1 s13, $0x12  }
0x33: {  	s22 =	sshll.u32 @!p1 s12, $0xA;
	s23 =	sand.u32 @!p1 $0xF, s23;
	s20 =	sadd.s32 @!p1 s2, s20  }
0x34: {  	s21 =	sxor.u32 @!p1 $0xFFFFFFFF, s14;
	s19 =	sshrl.u32 @!p1 s19, $0x4;
	s20 =	sadd.s32 @!p1 s22, s20  }
0x35: {  	s19 =	sand.u32 @!p1 $0x3F0, s19;
	s22 =	sand.u32 @!p1 $0x7, s10;
	s20 =	sadd.s32 @!p1 s23, s20  }
0x36: {  	s19 =	sadd.s32 @!p1 s19, s20;
	s20 =	sshll.u32 @!p1 s21, $0xE;
	s21 =	sshll.u32 @!p1 s22, $0x12  }
0x37: {  	s22 =	simm.s32 @!p1 $0x2000;
	s20 =	sand.u32 @!p1 $0x4000, s20;
	s21 =	sor.u32 @!p1 $0x80, s21  }
0x38: {  	[tilespmem:s20], [sflag:$0x1] =	stream.strided.gather @!p1 [hbm4b:s19+s21], $0x4000, s22, s21, $0x38;
	[tilespmem:$0x10100] =	vst v63  }
0x39: {  	p1 =	sge.u32 s31, s6  }
.Ltmp2:
0x3a: {  	_ = 	snop;
	(pc) =	sbr.rel @p1 .LBB1_5-.Ltmp2, $1  }
0x3b: {  	_ =	sdelay $0x3  }
0x3c: {  	s19 =	simm.s32 $0x1  }
0x3d: {  	_ =	swait.ge [sflag:s5], $0x4000;
	s19 =	simm.s32 @!p0 $0x0  }
0x3e: {  	[sflag:s5] =	ssyncset.done $0x0;
	s20 =	sshll.u32 s19, $0xE  }
0x3f: {  	[sflag:s5] =	ssyncadd.s32 $0xFFFFC000;
	s20 =	sor.u32 $0x40, s20  }
0x40: {  	v0 =	vld [tilespmem:s20+$0x20]  }
0x41: {  	v1 =	vld [tilespmem:s20+$0x30]  }
0x42: {  	v2 =	vld [tilespmem:s20+$0xFFFFFFD0]  }
0x43: {  	v3 =	vld [tilespmem:s20+$0xFFFFFFE0]  }
0x44: {  	v4 =	vld [tilespmem:s20+$0xFFFFFFF0]  }
0x45: {  	v5 =	vld [tilespmem:s20+$0x0]  }
0x46: {  	v6 =	vld [tilespmem:s20+$0x10]  }
0x47: {  	v7 =	vld [tilespmem:s20+$0xFFFFFFC0]  }
0x48: {  	s19 =	smul.u32 $0x10200, s19;
	v1 =	vperm.xlane.i2c.b16 v1;
	v0 =	vperm.xlane.i2c.b16 v0  }
0x49: {  	s20 =	sadd.s32 $0x80, s20;
	v10 =	vperm.xlane.i2c.b16 v2;
	v3 =	vperm.xlane.i2c.b16 v3  }
0x4a: {  	s19 =	sshrl.u32 s19, $0x2;
	v9 =	vld [tilespmem:s20+$0x30];
	v4 =	vperm.xlane.i2c.b16 v4;
	v5 =	vperm.xlane.i2c.b16 v5  }
0x4b: {  	s21 =	sor.u32 $0x8000, s19;
	v2 =	vld [tilespmem:s20+$0x20];
	v6 =	vperm.xlane.i2c.b16 v6;
	v8 =	vcombine.low v0, v1  }
0x4c: {  	v12 =	vld [tilespmem:s20+$0xFFFFFFF0];
	s22 =	sadd.s32 $0x0, s21;
	v13 =	vperm.xlane.i2c.b16 v7;
	v11 =	vcombine.low v3, v4  }
0x4d: {  	v0 =	vcombine.high v0, v1;
	v1 =	vld [tilespmem:s20+$0xFFFFFFD0];
	v7 =	vcombine.low v5, v6;
	[tilespmem:s22+$0x1830 ss:$0x81] =	vst.msk $0xffff, v8  }
0x4e: {  	v8 =	vld [tilespmem:s20+$0xFFFFFFE0];
	[tilespmem:s22+$0x810 ss:$0x81] =	vst.msk $0xffff, v11  }
0x4f: {  	v14 =	vld [tilespmem:s20+$0x0];
	v9 =	vperm.xlane.i2c.b16 v9;
	v5 =	vcombine.high v5, v6;
	[tilespmem:s22+$0x1020 ss:$0x81] =	vst.msk $0xffff, v7  }
0x50: {  	s31 =	sand.u32 $0x1, s14;
	[tilespmem:s22+$0x3870 ss:$0x81] =	vst.msk $0xffff, v0;
	v0 =	vcombine.high v3, v4;
	v3 =	vld [tilespmem:s20+$0x10];
	v2 =	vperm.xlane.i2c.b16 v2  }
0x51: {  	s19 =	smul.u32 $0x10200, s31;
	s23 =	sadd.s32 $0x80, s20;
	v11 =	vcombine.low v13, v10;
	v7 =	vperm.xlane.i2c.b16 v12;
	v4 =	vld [tilespmem:s20+$0xFFFFFFC0];
	[tilespmem:s22+$0x3060 ss:$0x81] =	vst.msk $0xffff, v5  }
0x52: {  	v5 =	vld [tilespmem:s23+$0x30];
	[tilespmem:s22+$0x2850 ss:$0x81] =	vst.msk $0xffff, v0;
	v0 =	vperm.xlane.i2c.b16 v1;
	v15 =	vcombine.low v2, v9  }
0x53: {  	s24 =	sadd.s32 $0x1, s21;
	s19 =	sshrl.u32 s19, $0x2;
	[tilespmem:s22+$0x0 ss:$0x81] =	vst.msk $0xffff, v11;
	v1 =	vld [tilespmem:s23+$0x20];
	v9 =	vcombine.high v2, v9;
	v6 =	vperm.xlane.i2c.b16 v8  }
0x54: {  	s25 =	simm.s32 $0x8;
	s26 =	simm.s32 $0xC;
	v10 =	vcombine.high v13, v10;
	s20 =	sor.u32 $0x8000, s19;
	v2 =	vld [tilespmem:s23+$0xFFFFFFD0];
	v8 =	vperm.xlane.i2c.b16 v14;
	[tilespmem:s24+$0x1830 ss:$0x81] =	vst.msk $0xffff, v15  }
.LBB1_3:
0x55: {  	p1 =	sne.s32 s26, $0x1FC;
	v11 =	vld [tilespmem:s23+$0xFFFFFFE0];
	v12 =	vcombine.low v6, v7;
	v3 =	vperm.xlane.i2c.b16 v3;
	[tilespmem:s24+$0x3870 ss:$0x81] =	vst.msk $0xffff, v9  }
0x56: {  	v13 =	vperm.xlane.i2c.b16 v4;
	v4 =	vcombine.high v6, v7;
	v9 =	vld [tilespmem:s23+$0xFFFFFFF0];
	[tilespmem:s22+$0x2040 ss:$0x81] =	vst.msk $0xffff, v10;
	s22 =	smov.u32 s24  }
0x57: {  	v10 =	vld [tilespmem:s23+$0x0];
	[tilespmem:s22+$0x810 ss:$0x81] =	vst.msk $0xffff, v12;
	v6 =	vcombine.low v8, v3;
	v7 =	vcombine.high v8, v3  }
.Ltmp3:
0x58: {  	v8 =	vperm.xlane.i2c.b16 v5;
	v12 =	vperm.xlane.i2c.b16 v1;
	v3 =	vld [tilespmem:s23+$0x10];
	[tilespmem:s22+$0x2850 ss:$0x81] =	vst.msk $0xffff, v4;
	(pc) =	sbr.rel @p1 .LBB1_3-.Ltmp3, $4  }
0x59: {  	v14 =	vperm.xlane.i2c.b16 v2;
	v2 =	vcombine.low v13, v0;
	v4 =	vld [tilespmem:s23+$0xFFFFFFC0];
	s23 =	sadd.s32 $0x80, s23;
	[tilespmem:s22+$0x1020 ss:$0x81] =	vst.msk $0xffff, v6  }
0x5a: {  	s24 =	sshra.s32 s25, $0x2;
	s25 =	smov.u32 s26;
	v1 =	vld [tilespmem:s23+$0x20];
	v6 =	vperm.xlane.i2c.b16 v11;
	v11 =	vcombine.low v12, v8;
	[tilespmem:s22+$0x3060 ss:$0x81] =	vst.msk $0xffff, v7  }
0x5b: {  	s24 =	sadd.s32 s24, s21;
	v5 =	vld [tilespmem:s23+$0x30];
	v7 =	vperm.xlane.i2c.b16 v9;
	v9 =	vcombine.high v12, v8;
	[tilespmem:s22+$0x0 ss:$0x81] =	vst.msk $0xffff, v2  }
0x5c: {  	s26 =	sadd.s32 $0x4, s26;
	v2 =	vld [tilespmem:s23+$0xFFFFFFD0];
	v8 =	vperm.xlane.i2c.b16 v10;
	[tilespmem:s24+$0x1830 ss:$0x81] =	vst.msk $0xffff, v11;
	v10 =	vcombine.high v13, v0;
	v0 =	vmov v14  }
.Ltmp4:
0x5d: {  	_ = 	snop;
	(pc) =	sbr.rel .LBB1_4-.Ltmp4, $1  }
0x5e: {  	_ =	sdelay $0x3  }
.LBB1_6:
0x5f: {  	_ =	sfence.sel $0x180000  }
0x60: {  	s1 =	simm.s32 $0x1;
	[bflag:$0x0] =	sbarrier.arrive $0xFFFF  }
0x61: {  	s31 =	simm.s32 $0x2;
	[sflag:s1] =	ssyncpa.u1 $0x1  }
0x62: {  	[sflag:s31] =	ssyncpa.u1 $0x1  }
0x63: {  	p0 =	sne.s32 s3, $0x0;
	_ =	strace $0x90000050  }
0x64: {  	s0 =	sadd.s32 @!p0 $0x100000, s0;
	[bflag:$0x2] =	sbarrier.arrive $0xFFFF  }
0x65: {  	[sflag:s0] =	ssyncadd.tile.s32 @!p0 $0x1;
	_ =	shalt  }
.Lfunc_end1:
_tile_overlayer_lowered:
.L_overlay_start_2:
0x66: {  	(tag) =	ssettag $0x2  }
0x67: {  	s0 =	rddreg [dreg:$0x0];
	s2 =	stileid.u32  }
0x68: {  	s1 =	rddreg [dreg:$0x1];
	p0 =	sne.s32 s2, $0x0  }
0x69: {  	s3 =	rddreg [dreg:$0x2];
	[bflag:$0x3] =	sbarrier.arrive $0xFFFF;
	s2 =	simm.s32 @!p0 $0x1C01  }
0x6a: {  	[timem:s3], [sflag:s2] =	dma.local @!p0 [hbm:s0], s1  }
0x6b: {  	s0 =	simm.s32 @!p0 $0x1  }
0x6c: {  	_ =	swait.ge @!p0 [sflag:s0], s1  }
0x6d: {  	s1 =	ssub.s32 @!p0 $0x0, s1;
	[sflag:s0] =	ssyncset.done @!p0 $0x0  }
0x6e: {  	[sflag:s0] =	ssyncadd.s32 @!p0 s1  }
0x6f: {  	[bflag:$0x3] =	sbarrier.arrive $0xFFFF  }
0x70: {  	_ =	shalt  }

</sc_bundles>
